<compile_context>
chip_gen: v7x
topology: tpu7x:2x2x1
jax: 0.10.2.dev20260603
libtpu: 0.0.44.dev20260713+nightly
codegen_flags: <defaults>
</compile_context>

<pallas_src>
import functools

import jax
import jax.numpy as jnp
from jax import lax
from jax.experimental import pallas as pl
from jax.experimental.pallas import tpu as pltpu
from jax.experimental.pallas import tpu_sc as plsc

_NUM_EMB = 30
_EMB_DIM = 12
_OUT_DIM = 3
_BATCH = 16384
_HIST = 200

_NC = 2
_NS = 16
_L = 16
_NW = _NC * _NS
_RPW = _BATCH // _NW
_CHUNK = 128
_NCH = _RPW // _CHUNK


def _prep_body(w_ref, emb_ref, b_ref, out_ref):
    m = lax.dot_general(
        w_ref[...], emb_ref[...],
        dimension_numbers=(((1,), (1,)), ((), ())),
        preferred_element_type=jnp.float32,
        precision=lax.Precision.HIGHEST,
    )
    out_ref[...] = m + b_ref[...]


_prep = pl.pallas_call(
    _prep_body,
    out_shape=jax.ShapeDtypeStruct((8, 128), jnp.float32),
)


def _sc_body(ids_hbm, m_hbm, out_hbm, buf0, buf1, m_v, tab_v, out_v, sem0, sem1):
    c = lax.axis_index("c")
    s = lax.axis_index("s")
    wid = s * _NC + c
    base = wid * _RPW

    pltpu.sync_copy(m_hbm, m_v)

    bufs = (buf0, buf1)
    sems = (sem0, sem1)
    cps = [None, None]
    cps[0] = pltpu.async_copy(
        ids_hbm.at[pl.ds(base * _HIST, _CHUNK * _HIST)], buf0, sem0)

    j0 = jnp.zeros((_L,), jnp.int32)
    j1 = j0 + 1
    j2 = j0 + 2
    zf = jnp.zeros((_L,), jnp.float32)
    iot = lax.iota(jnp.int32, _L)

    @pl.loop(0, 3 * 32)
    def _build(t):
        j = t >> 5
        a = t & 31
        va = plsc.load_gather(m_v, [jnp.full((_L,), 0, jnp.int32) + j,
                                    jnp.full((_L,), 0, jnp.int32) + a])
        tab_v[t, pl.ds(0, _L)] = va + m_v[j, pl.ds(0, _L)]
        tab_v[t, pl.ds(_L, _L)] = va + m_v[j, pl.ds(_L, _L)]

    for ci in range(_NCH):
        if ci + 1 < _NCH:
            cps[(ci + 1) % 2] = pltpu.async_copy(
                ids_hbm.at[pl.ds((base + (ci + 1) * _CHUNK) * _HIST,
                                 _CHUNK * _HIST)],
                bufs[(ci + 1) % 2],
                sems[(ci + 1) % 2],
            )
        cps[ci % 2].wait()
        buf = bufs[ci % 2]

        @pl.loop(0, _CHUNK // _L)
        def _subgroups(sg, buf=buf):
            rows = iot + sg * _L
            rowoff = rows * _HIST

            def body(p, carry):
                ia, a0, a1, a2 = carry
                idA = plsc.load_gather(buf, [ia])
                idB = plsc.load_gather(buf, [ia + 1])
                a0 = a0 + plsc.load_gather(tab_v, [idA, idB])
                a1 = a1 + plsc.load_gather(tab_v, [idA + 32, idB])
                a2 = a2 + plsc.load_gather(tab_v, [idA + 64, idB])
                return (ia + 2, a0, a1, a2)

            _, a0, a1, a2 = lax.fori_loop(
                0, _HIST // 2, body, (rowoff, zf, zf, zf), unroll=8)
            plsc.store_scatter(out_v, [rows, j0], a0)
            plsc.store_scatter(out_v, [rows, j1], a1)
            plsc.store_scatter(out_v, [rows, j2], a2)

        pltpu.sync_copy(
            out_v, out_hbm.at[pl.ds(base + ci * _CHUNK, _CHUNK), :])


_sc = pl.kernel(
    _sc_body,
    out_type=jax.ShapeDtypeStruct((_BATCH, _OUT_DIM), jnp.float32),
    mesh=plsc.VectorSubcoreMesh(core_axis_name="c", subcore_axis_name="s"),
    scratch_types=[
        pltpu.VMEM((_CHUNK * _HIST,), jnp.int32),
        pltpu.VMEM((_CHUNK * _HIST,), jnp.int32),
        pltpu.VMEM((8, 128), jnp.float32),
        pltpu.VMEM((3 * 32, 32), jnp.float32),
        pltpu.VMEM((_CHUNK, _OUT_DIM), jnp.float32),
        pltpu.SemaphoreType.DMA,
        pltpu.SemaphoreType.DMA,
    ],
    compiler_params=pltpu.CompilerParams(
        use_tc_tiling_on_sc=False, needs_layout_passes=False),
)


def kernel(user_ids, embed_table, fc_w, fc_b):
    ids = user_ids.astype(jnp.int32)
    emb_p = jnp.zeros((128, _EMB_DIM), jnp.float32).at[:_NUM_EMB].set(embed_table)
    w_r = fc_w.astype(jnp.bfloat16).astype(jnp.float32)
    w_p = jnp.zeros((8, _EMB_DIM), jnp.float32).at[:_OUT_DIM].set(w_r)
    b_p = jnp.zeros((8, 1), jnp.float32).at[:_OUT_DIM, 0].set(fc_b / _HIST)
    m = _prep(w_p, emb_p, b_p)
    return _sc(ids.reshape(-1), m)

# --- scband reference (transcript-rebuilt; emitter-appended) ---
"""Pipeline reference for scband-user-embedding-model-75522704932885 (READ-ONLY COPY).

The authoritative reference and input builder live on the scoring server;
editing this copy changes nothing except your own understanding.
"""

import jax, jax.numpy as jnp
import numpy as np

NUM_EMB = 30
EMB_DIM = 12
OUT_DIM = 3
BATCH = 16384
HIST = 200

def setup_inputs(seed: int = 0) -> dict:
    key = jax.random.key(seed)
    k1, k2, k3, k4 = jax.random.split(key, 4)
    user_ids = jax.random.randint(k1, (BATCH, HIST), 0, NUM_EMB, dtype=jnp.int64 if jax.config.jax_enable_x64 else jnp.int32)
    # learned parameters
    embed_table = jax.random.normal(k2, (NUM_EMB, EMB_DIM), dtype=jnp.float32)
    # nn.Linear(12, 3): weight [3, 12], bias [3]
    bound = 1.0 / np.sqrt(EMB_DIM)
    fc_w = jax.random.uniform(k3, (OUT_DIM, EMB_DIM), minval=-bound, maxval=bound, dtype=jnp.float32)
    fc_b = jax.random.uniform(k4, (OUT_DIM,), minval=-bound, maxval=bound, dtype=jnp.float32)
    return {"user_ids": user_ids, "embed_table": embed_table, "fc_w": fc_w, "fc_b": fc_b}

def reference(user_ids, embed_table, fc_w, fc_b):
    # embedding lookup: gather rows
    emb = jnp.take(embed_table, user_ids, axis=0)      # [B, L, 12]
    pooled = emb.sum(axis=1)                            # [B, 12]
    out = pooled @ fc_w.T + fc_b                        # [B, 3]
    return out

if __name__ == "__main__":
    import jax
    _d = setup_inputs()
    print(jax.jit(kernel)(*tuple(_d.values())))

</pallas_src>

<mosaic_0001>
#map = affine_map<(d0, d1) -> (0)>
#map1 = affine_map<(d0, d1) -> (0, 0)>
module attributes {stable_mosaic.version = 14 : i64} {
  func.func @_sc_body(%arg0: i32, %arg1: i32, %arg2: memref<3276800xi32, #tpu.memory_space<hbm>>, %arg3: memref<8x128xf32, #tpu.memory_space<hbm>>, %arg4: memref<16384x3xf32, #tpu.memory_space<hbm>>, %arg5: memref<25600xi32, #tpu.memory_space<vmem>>, %arg6: memref<25600xi32, #tpu.memory_space<vmem>>, %arg7: memref<8x128xf32, #tpu.memory_space<vmem>>, %arg8: memref<96x32xf32, #tpu.memory_space<vmem>>, %arg9: memref<128x3xf32, #tpu.memory_space<vmem>>, %arg10: memref<!tpu.dma_semaphore, #tpu.memory_space<semaphore_mem>>, %arg11: memref<!tpu.dma_semaphore, #tpu.memory_space<semaphore_mem>>) attributes {dimension_semantics = [#tpu.dimension_semantics<core_parallel>, #tpu.dimension_semantics<subcore_parallel>], iteration_bounds = array<i64: 2, 16>, scalar_prefetch = 0 : i64, scratch_operands = 7 : i64, tpu.core_type = #tpu.core_type<sc_vector_subcore>, window_params = [{transform_indices = #map}, {transform_indices = #map1}, {transform_indices = #map1}]} {
    %mul3A = arith.constant 2 : i32
    %mul3A_0 = arith.muli %arg1, %mul3A : i32
    %add3A = arith.addi %mul3A_0, %arg0 : i32
    %mul3A_1 = arith.constant 512 : i32
    %mul3A_2 = arith.muli %add3A, %mul3A_1 : i32
    "tpu.region"() ({
      %run_scoped3A = tpu.sem_alloc : memref<!tpu.dma_semaphore, #tpu.memory_space<semaphore_mem>>
      tpu.enqueue_dma source(%arg3 : memref<8x128xf32, #tpu.memory_space<hbm>>) target(%arg7 : memref<8x128xf32, #tpu.memory_space<vmem>>) target_semaphore(%run_scoped3A : memref<!tpu.dma_semaphore, #tpu.memory_space<semaphore_mem>>)
      tpu.wait_dma2 semaphore(%run_scoped3A : memref<!tpu.dma_semaphore, #tpu.memory_space<semaphore_mem>>) src(%arg3 : memref<8x128xf32, #tpu.memory_space<hbm>>) dst(%arg7 : memref<8x128xf32, #tpu.memory_space<vmem>>)
      tpu.yield
    }) : () -> ()
    %mul3A_3 = arith.constant 200 : i32
    %mul3A_4 = arith.muli %mul3A_2, %mul3A_3 : i32
    %dma_start3A = tpu.memref_slice %arg2[%mul3A_4] : memref<3276800xi32, #tpu.memory_space<hbm>> -> memref<25600xi32, #tpu.memory_space<hbm>>
    %dma_start3A_5 = tpu.memref_slice %arg2[%mul3A_4] : memref<3276800xi32, #tpu.memory_space<hbm>> -> memref<25600xi32, #tpu.memory_space<hbm>>
    tpu.enqueue_dma source(%dma_start3A_5 : memref<25600xi32, #tpu.memory_space<hbm>>) target(%arg5 : memref<25600xi32, #tpu.memory_space<vmem>>) target_semaphore(%arg10 : memref<!tpu.dma_semaphore, #tpu.memory_space<semaphore_mem>>)
    %broadcast_in_dim3A = arith.constant 0 : i32
    %broadcast_in_dim3A_6 = vector.broadcast %broadcast_in_dim3A : i32 to vector<16xi32>
    %add3A_7 = arith.constant 1 : i32
    %add3A_8 = vector.broadcast %add3A_7 : i32 to vector<16xi32>
    %add3A_9 = arith.addi %broadcast_in_dim3A_6, %add3A_8 : vector<16xi32>
    %add3A_10 = arith.constant 2 : i32
    %add3A_11 = vector.broadcast %add3A_10 : i32 to vector<16xi32>
    %add3A_12 = arith.addi %broadcast_in_dim3A_6, %add3A_11 : vector<16xi32>
    %broadcast_in_dim3A_13 = arith.constant 0.000000e+00 : f32
    %broadcast_in_dim3A_14 = vector.broadcast %broadcast_in_dim3A_13 : f32 to vector<16xf32>
    %iota3A = tpu.iota {dimensions = array<i32: 0>} : vector<16xi32>
    %scan3A = arith.constant 0 : i32
    %scan3A_15 = arith.constant 96 : i32
    %scan3A_16 = arith.addi %scan3A, %scan3A_15 : i32
    %scan3A_17 = arith.constant 1 : i32
    scf.for %scan3A_72 = %scan3A to %scan3A_16 step %scan3A_17  : i32 {
      %mul3A_73 = arith.constant 1 : i32
      %mul3A_74 = arith.muli %scan3A_72, %mul3A_73 : i32
      %add3A_75 = arith.constant 0 : i32
      %add3A_76 = arith.addi %add3A_75, %mul3A_74 : i32
      %shift_right_arithmetic3A = arith.constant 5 : i32
      %shift_right_arithmetic3A_77 = arith.shrsi %add3A_76, %shift_right_arithmetic3A : i32
      %and3A = arith.constant 31 : i32
      %and3A_78 = arith.andi %add3A_76, %and3A : i32
      %broadcast_in_dim3A_79 = arith.constant 0 : i32
      %broadcast_in_dim3A_80 = vector.broadcast %broadcast_in_dim3A_79 : i32 to vector<16xi32>
      %add3A_81 = vector.broadcast %shift_right_arithmetic3A_77 : i32 to vector<16xi32>
      %add3A_82 = arith.addi %broadcast_in_dim3A_80, %add3A_81 : vector<16xi32>
      %broadcast_in_dim3A_83 = arith.constant 0 : i32
      %broadcast_in_dim3A_84 = vector.broadcast %broadcast_in_dim3A_83 : i32 to vector<16xi32>
      %add3A_85 = vector.broadcast %and3A_78 : i32 to vector<16xi32>
      %add3A_86 = arith.addi %broadcast_in_dim3A_84, %add3A_85 : vector<16xi32>
      %gather3A = tpu.vector_load_idx %arg7[%add3A_82, %add3A_86] : memref<8x128xf32, #tpu.memory_space<vmem>>[vector<16xi32>, vector<16xi32>], vector<16xf32>,
      %get3A = arith.index_cast %shift_right_arithmetic3A_77 : i32 to index
      %get3A_87 = arith.constant 0 : index
      %get3A_88 = tpu.vector_load %arg7[%get3A, %get3A_87] {strides = array<i32>} : memref<8x128xf32, #tpu.memory_space<vmem>>, vector<16xf32>,
      %add3A_89 = arith.addf %gather3A, %get3A_88 : vector<16xf32>
      %swap3A = arith.index_cast %add3A_76 : i32 to index
      %swap3A_90 = arith.constant 0 : index
      %swap3A_91 = tpu.vector_load %arg8[%swap3A, %swap3A_90] {strides = array<i32>} : memref<96x32xf32, #tpu.memory_space<vmem>>, vector<16xf32>,
      tpu.vector_store %arg8[%swap3A, %swap3A_90], %add3A_89 {strides = array<i32>} : memref<96x32xf32, #tpu.memory_space<vmem>>, vector<16xf32>,
      %get3A_92 = arith.index_cast %shift_right_arithmetic3A_77 : i32 to index
      %get3A_93 = arith.constant 16 : index
      %get3A_94 = tpu.vector_load %arg7[%get3A_92, %get3A_93] {strides = array<i32>} : memref<8x128xf32, #tpu.memory_space<vmem>>, vector<16xf32>,
      %add3A_95 = arith.addf %gather3A, %get3A_94 : vector<16xf32>
      %swap3A_96 = arith.index_cast %add3A_76 : i32 to index
      %swap3A_97 = arith.constant 16 : index
      %swap3A_98 = tpu.vector_load %arg8[%swap3A_96, %swap3A_97] {strides = array<i32>} : memref<96x32xf32, #tpu.memory_space<vmem>>, vector<16xf32>,
      tpu.vector_store %arg8[%swap3A_96, %swap3A_97], %add3A_95 {strides = array<i32>} : memref<96x32xf32, #tpu.memory_space<vmem>>, vector<16xf32>,
    }
    %scan3A_18 = arith.constant 96 : i32
    %add3A_19 = arith.constant 128 : i32
    %add3A_20 = arith.addi %mul3A_2, %add3A_19 : i32
    %mul3A_21 = arith.constant 200 : i32
    %mul3A_22 = arith.muli %add3A_20, %mul3A_21 : i32
    %dma_start3A_23 = tpu.memref_slice %arg2[%mul3A_22] : memref<3276800xi32, #tpu.memory_space<hbm>> -> memref<25600xi32, #tpu.memory_space<hbm>>
    %dma_start3A_24 = tpu.memref_slice %arg2[%mul3A_22] : memref<3276800xi32, #tpu.memory_space<hbm>> -> memref<25600xi32, #tpu.memory_space<hbm>>
    tpu.enqueue_dma source(%dma_start3A_24 : memref<25600xi32, #tpu.memory_space<hbm>>) target(%arg6 : memref<25600xi32, #tpu.memory_space<vmem>>) target_semaphore(%arg11 : memref<!tpu.dma_semaphore, #tpu.memory_space<semaphore_mem>>)
    %dma_wait3A = tpu.memref_slice %arg2[%mul3A_4] : memref<3276800xi32, #tpu.memory_space<hbm>> -> memref<25600xi32, #tpu.memory_space<hbm>>
    %dma_wait3A_25 = tpu.memref_slice %arg2[%mul3A_4] : memref<3276800xi32, #tpu.memory_space<hbm>> -> memref<25600xi32, #tpu.memory_space<hbm>>
    tpu.wait_dma2 semaphore(%arg10 : memref<!tpu.dma_semaphore, #tpu.memory_space<semaphore_mem>>) src(%dma_wait3A_25 : memref<25600xi32, #tpu.memory_space<hbm>>) dst(%arg5 : memref<25600xi32, #tpu.memory_space<vmem>>)
    %scan3A_26 = arith.constant 0 : i32
    %scan3A_27 = arith.constant 8 : i32
    %scan3A_28 = arith.addi %scan3A_26, %scan3A_27 : i32
    %scan3A_29 = arith.constant 1 : i32
    scf.for %scan3A_72 = %scan3A_26 to %scan3A_28 step %scan3A_29  : i32 {
      %mul3A_73 = arith.constant 1 : i32
      %mul3A_74 = arith.muli %scan3A_72, %mul3A_73 : i32
      %add3A_75 = arith.constant 0 : i32
      %add3A_76 = arith.addi %add3A_75, %mul3A_74 : i32
      %mul3A_77 = arith.constant 16 : i32
      %mul3A_78 = arith.muli %add3A_76, %mul3A_77 : i32
      %add3A_79 = vector.broadcast %mul3A_78 : i32 to vector<16xi32>
      %add3A_80 = arith.addi %iota3A, %add3A_79 : vector<16xi32>
      %mul3A_81 = arith.constant 200 : i32
      %mul3A_82 = vector.broadcast %mul3A_81 : i32 to vector<16xi32>
      %mul3A_83 = arith.muli %add3A_80, %mul3A_82 : vector<16xi32>
      %scan3A_84 = arith.constant 0 : i32
      %scan3A_85 = arith.constant 96 : i32
      %scan3A_86 = arith.addi %scan3A_84, %scan3A_85 : i32
      %scan3A_87 = arith.constant 8 : i32
      %scan3A_88:4 = scf.for %scan3A_177 = %scan3A_84 to %scan3A_86 step %scan3A_87 iter_args(%scan3A_178 = %mul3A_83, %scan3A_179 = %broadcast_in_dim3A_14, %scan3A_180 = %broadcast_in_dim3A_14, %scan3A_181 = %broadcast_in_dim3A_14) -> (vector<16xi32>, vector<16xf32>, vector<16xf32>, vector<16xf32>)  : i32 {
        %gather3A_182 = tpu.vector_load_idx %arg5[%scan3A_178] : memref<25600xi32, #tpu.memory_space<vmem>>[vector<16xi32>], vector<16xi32>,
        %add3A_183 = arith.constant 1 : i32
        %add3A_184 = vector.broadcast %add3A_183 : i32 to vector<16xi32>
        %add3A_185 = arith.addi %scan3A_178, %add3A_184 : vector<16xi32>
        %gather3A_186 = tpu.vector_load_idx %arg5[%add3A_185] : memref<25600xi32, #tpu.memory_space<vmem>>[vector<16xi32>], vector<16xi32>,
        %gather3A_187 = tpu.vector_load_idx %arg8[%gather3A_182, %gather3A_186] : memref<96x32xf32, #tpu.memory_space<vmem>>[vector<16xi32>, vector<16xi32>], vector<16xf32>,
        %add3A_188 = arith.addf %scan3A_179, %gather3A_187 : vector<16xf32>
        %add3A_189 = arith.constant 32 : i32
        %add3A_190 = vector.broadcast %add3A_189 : i32 to vector<16xi32>
        %add3A_191 = arith.addi %gather3A_182, %add3A_190 : vector<16xi32>
        %gather3A_192 = tpu.vector_load_idx %arg8[%add3A_191, %gather3A_186] : memref<96x32xf32, #tpu.memory_space<vmem>>[vector<16xi32>, vector<16xi32>], vector<16xf32>,
        %add3A_193 = arith.addf %scan3A_180, %gather3A_192 : vector<16xf32>
        %add3A_194 = arith.constant 64 : i32
        %add3A_195 = vector.broadcast %add3A_194 : i32 to vector<16xi32>
        %add3A_196 = arith.addi %gather3A_182, %add3A_195 : vector<16xi32>
        %gather3A_197 = tpu.vector_load_idx %arg8[%add3A_196, %gather3A_186] : memref<96x32xf32, #tpu.memory_space<vmem>>[vector<16xi32>, vector<16xi32>], vector<16xf32>,
        %add3A_198 = arith.addf %scan3A_181, %gather3A_197 : vector<16xf32>
        %add3A_199 = arith.constant 2 : i32
        %add3A_200 = vector.broadcast %add3A_199 : i32 to vector<16xi32>
        %add3A_201 = arith.addi %scan3A_178, %add3A_200 : vector<16xi32>
        %scan3A_202 = arith.constant 1 : i32
        %scan3A_203 = arith.addi %scan3A_177, %scan3A_202 : i32
        %gather3A_204 = tpu.vector_load_idx %arg5[%add3A_201] : memref<25600xi32, #tpu.memory_space<vmem>>[vector<16xi32>], vector<16xi32>,
        %add3A_205 = arith.constant 1 : i32
        %add3A_206 = vector.broadcast %add3A_205 : i32 to vector<16xi32>
        %add3A_207 = arith.addi %add3A_201, %add3A_206 : vector<16xi32>
        %gather3A_208 = tpu.vector_load_idx %arg5[%add3A_207] : memref<25600xi32, #tpu.memory_space<vmem>>[vector<16xi32>], vector<16xi32>,
        %gather3A_209 = tpu.vector_load_idx %arg8[%gather3A_204, %gather3A_208] : memref<96x32xf32, #tpu.memory_space<vmem>>[vector<16xi32>, vector<16xi32>], vector<16xf32>,
        %add3A_210 = arith.addf %add3A_188, %gather3A_209 : vector<16xf32>
        %add3A_211 = arith.constant 32 : i32
        %add3A_212 = vector.broadcast %add3A_211 : i32 to vector<16xi32>
        %add3A_213 = arith.addi %gather3A_204, %add3A_212 : vector<16xi32>
        %gather3A_214 = tpu.vector_load_idx %arg8[%add3A_213, %gather3A_208] : memref<96x32xf32, #tpu.memory_space<vmem>>[vector<16xi32>, vector<16xi32>], vector<16xf32>,
        %add3A_215 = arith.addf %add3A_193, %gather3A_214 : vector<16xf32>
        %add3A_216 = arith.constant 64 : i32
        %add3A_217 = vector.broadcast %add3A_216 : i32 to vector<16xi32>
        %add3A_218 = arith.addi %gather3A_204, %add3A_217 : vector<16xi32>
        %gather3A_219 = tpu.vector_load_idx %arg8[%add3A_218, %gather3A_208] : memref<96x32xf32, #tpu.memory_space<vmem>>[vector<16xi32>, vector<16xi32>], vector<16xf32>,
        %add3A_220 = arith.addf %add3A_198, %gather3A_219 : vector<16xf32>
        %add3A_221 = arith.constant 2 : i32
        %add3A_222 = vector.broadcast %add3A_221 : i32 to vector<16xi32>
        %add3A_223 = arith.addi %add3A_201, %add3A_222 : vector<16xi32>
        %scan3A_224 = arith.constant 2 : i32
        %scan3A_225 = arith.addi %scan3A_177, %scan3A_224 : i32
        %gather3A_226 = tpu.vector_load_idx %arg5[%add3A_223] : memref<25600xi32, #tpu.memory_space<vmem>>[vector<16xi32>], vector<16xi32>,
        %add3A_227 = arith.constant 1 : i32
        %add3A_228 = vector.broadcast %add3A_227 : i32 to vector<16xi32>
        %add3A_229 = arith.addi %add3A_223, %add3A_228 : vector<16xi32>
        %gather3A_230 = tpu.vector_load_idx %arg5[%add3A_229] : memref<25600xi32, #tpu.memory_space<vmem>>[vector<16xi32>], vector<16xi32>,
        %gather3A_231 = tpu.vector_load_idx %arg8[%gather3A_226, %gather3A_230] : memref<96x32xf32, #tpu.memory_space<vmem>>[vector<16xi32>, vector<16xi32>], vector<16xf32>,
        %add3A_232 = arith.addf %add3A_210, %gather3A_231 : vector<16xf32>
        %add3A_233 = arith.constant 32 : i32
        %add3A_234 = vector.broadcast %add3A_233 : i32 to vector<16xi32>
        %add3A_235 = arith.addi %gather3A_226, %add3A_234 : vector<16xi32>
        %gather3A_236 = tpu.vector_load_idx %arg8[%add3A_235, %gather3A_230] : memref<96x32xf32, #tpu.memory_space<vmem>>[vector<16xi32>, vector<16xi32>], vector<16xf32>,
        %add3A_237 = arith.addf %add3A_215, %gather3A_236 : vector<16xf32>
        %add3A_238 = arith.constant 64 : i32
        %add3A_239 = vector.broadcast %add3A_238 : i32 to vector<16xi32>
        %add3A_240 = arith.addi %gather3A_226, %add3A_239 : vector<16xi32>
        %gather3A_241 = tpu.vector_load_idx %arg8[%add3A_240, %gather3A_230] : memref<96x32xf32, #tpu.memory_space<vmem>>[vector<16xi32>, vector<16xi32>], vector<16xf32>,
        %add3A_242 = arith.addf %add3A_220, %gather3A_241 : vector<16xf32>
        %add3A_243 = arith.constant 2 : i32
        %add3A_244 = vector.broadcast %add3A_243 : i32 to vector<16xi32>
        %add3A_245 = arith.addi %add3A_223, %add3A_244 : vector<16xi32>
        %scan3A_246 = arith.constant 3 : i32
        %scan3A_247 = arith.addi %scan3A_177, %scan3A_246 : i32
        %gather3A_248 = tpu.vector_load_idx %arg5[%add3A_245] : memref<25600xi32, #tpu.memory_space<vmem>>[vector<16xi32>], vector<16xi32>,
        %add3A_249 = arith.constant 1 : i32
        %add3A_250 = vector.broadcast %add3A_249 : i32 to vector<16xi32>
        %add3A_251 = arith.addi %add3A_245, %add3A_250 : vector<16xi32>
        %gather3A_252 = tpu.vector_load_idx %arg5[%add3A_251] : memref<25600xi32, #tpu.memory_space<vmem>>[vector<16xi32>], vector<16xi32>,
        %gather3A_253 = tpu.vector_load_idx %arg8[%gather3A_248, %gather3A_252] : memref<96x32xf32, #tpu.memory_space<vmem>>[vector<16xi32>, vector<16xi32>], vector<16xf32>,
        %add3A_254 = arith.addf %add3A_232, %gather3A_253 : vector<16xf32>
        %add3A_255 = arith.constant 32 : i32
        %add3A_256 = vector.broadcast %add3A_255 : i32 to vector<16xi32>
        %add3A_257 = arith.addi %gather3A_248, %add3A_256 : vector<16xi32>
        %gather3A_258 = tpu.vector_load_idx %arg8[%add3A_257, %gather3A_252] : memref<96x32xf32, #tpu.memory_space<vmem>>[vector<16xi32>, vector<16xi32>], vector<16xf32>,
        %add3A_259 = arith.addf %add3A_237, %gather3A_258 : vector<16xf32>
        %add3A_260 = arith.constant 64 : i32
        %add3A_261 = vector.broadcast %add3A_260 : i32 to vector<16xi32>
        %add3A_262 = arith.addi %gather3A_248, %add3A_261 : vector<16xi32>
        %gather3A_263 = tpu.vector_load_idx %arg8[%add3A_262, %gather3A_252] : memref<96x32xf32, #tpu.memory_space<vmem>>[vector<16xi32>, vector<16xi32>], vector<16xf32>,
        %add3A_264 = arith.addf %add3A_242, %gather3A_263 : vector<16xf32>
        %add3A_265 = arith.constant 2 : i32
        %add3A_266 = vector.broadcast %add3A_265 : i32 to vector<16xi32>
        %add3A_267 = arith.addi %add3A_245, %add3A_266 : vector<16xi32>
        %scan3A_268 = arith.constant 4 : i32
        %scan3A_269 = arith.addi %scan3A_177, %scan3A_268 : i32
        %gather3A_270 = tpu.vector_load_idx %arg5[%add3A_267] : memref<25600xi32, #tpu.memory_space<vmem>>[vector<16xi32>], vector<16xi32>,
        %add3A_271 = arith.constant 1 : i32
        %add3A_272 = vector.broadcast %add3A_271 : i32 to vector<16xi32>
        %add3A_273 = arith.addi %add3A_267, %add3A_272 : vector<16xi32>
        %gather3A_274 = tpu.vector_load_idx %arg5[%add3A_273] : memref<25600xi32, #tpu.memory_space<vmem>>[vector<16xi32>], vector<16xi32>,
        %gather3A_275 = tpu.vector_load_idx %arg8[%gather3A_270, %gather3A_274] : memref<96x32xf32, #tpu.memory_space<vmem>>[vector<16xi32>, vector<16xi32>], vector<16xf32>,
        %add3A_276 = arith.addf %add3A_254, %gather3A_275 : vector<16xf32>
        %add3A_277 = arith.constant 32 : i32
        %add3A_278 = vector.broadcast %add3A_277 : i32 to vector<16xi32>
        %add3A_279 = arith.addi %gather3A_270, %add3A_278 : vector<16xi32>
        %gather3A_280 = tpu.vector_load_idx %arg8[%add3A_279, %gather3A_274] : memref<96x32xf32, #tpu.memory_space<vmem>>[vector<16xi32>, vector<16xi32>], vector<16xf32>,
        %add3A_281 = arith.addf %add3A_259, %gather3A_280 : vector<16xf32>
        %add3A_282 = arith.constant 64 : i32
        %add3A_283 = vector.broadcast %add3A_282 : i32 to vector<16xi32>
        %add3A_284 = arith.addi %gather3A_270, %add3A_283 : vector<16xi32>
        %gather3A_285 = tpu.vector_load_idx %arg8[%add3A_284, %gather3A_274] : memref<96x32xf32, #tpu.memory_space<vmem>>[vector<16xi32>, vector<16xi32>], vector<16xf32>,
        %add3A_286 = arith.addf %add3A_264, %gather3A_285 : vector<16xf32>
        %add3A_287 = arith.constant 2 : i32
        %add3A_288 = vector.broadcast %add3A_287 : i32 to vector<16xi32>
        %add3A_289 = arith.addi %add3A_267, %add3A_288 : vector<16xi32>
        %scan3A_290 = arith.constant 5 : i32
        %scan3A_291 = arith.addi %scan3A_177, %scan3A_290 : i32
        %gather3A_292 = tpu.vector_load_idx %arg5[%add3A_289] : memref<25600xi32, #tpu.memory_space<vmem>>[vector<16xi32>], vector<16xi32>,
        %add3A_293 = arith.constant 1 : i32
        %add3A_294 = vector.broadcast %add3A_293 : i32 to vector<16xi32>
        %add3A_295 = arith.addi %add3A_289, %add3A_294 : vector<16xi32>
        %gather3A_296 = tpu.vector_load_idx %arg5[%add3A_295] : memref<25600xi32, #tpu.memory_space<vmem>>[vector<16xi32>], vector<16xi32>,
        %gather3A_297 = tpu.vector_load_idx %arg8[%gather3A_292, %gather3A_296] : memref<96x32xf32, #tpu.memory_space<vmem>>[vector<16xi32>, vector<16xi32>], vector<16xf32>,
        %add3A_298 = arith.addf %add3A_276, %gather3A_297 : vector<16xf32>
        %add3A_299 = arith.constant 32 : i32
        %add3A_300 = vector.broadcast %add3A_299 : i32 to vector<16xi32>
        %add3A_301 = arith.addi %gather3A_292, %add3A_300 : vector<16xi32>
        %gather3A_302 = tpu.vector_load_idx %arg8[%add3A_301, %gather3A_296] : memref<96x32xf32, #tpu.memory_space<vmem>>[vector<16xi32>, vector<16xi32>], vector<16xf32>,
        %add3A_303 = arith.addf %add3A_281, %gather3A_302 : vector<16xf32>
        %add3A_304 = arith.constant 64 : i32
        %add3A_305 = vector.broadcast %add3A_304 : i32 to vector<16xi32>
        %add3A_306 = arith.addi %gather3A_292, %add3A_305 : vector<16xi32>
        %gather3A_307 = tpu.vector_load_idx %arg8[%add3A_306, %gather3A_296] : memref<96x32xf32, #tpu.memory_space<vmem>>[vector<16xi32>, vector<16xi32>], vector<16xf32>,
        %add3A_308 = arith.addf %add3A_286, %gather3A_307 : vector<16xf32>
        %add3A_309 = arith.constant 2 : i32
        %add3A_310 = vector.broadcast %add3A_309 : i32 to vector<16xi32>
        %add3A_311 = arith.addi %add3A_289, %add3A_310 : vector<16xi32>
        %scan3A_312 = arith.constant 6 : i32
        %scan3A_313 = arith.addi %scan3A_177, %scan3A_312 : i32
        %gather3A_314 = tpu.vector_load_idx %arg5[%add3A_311] : memref<25600xi32, #tpu.memory_space<vmem>>[vector<16xi32>], vector<16xi32>,
        %add3A_315 = arith.constant 1 : i32
        %add3A_316 = vector.broadcast %add3A_315 : i32 to vector<16xi32>
        %add3A_317 = arith.addi %add3A_311, %add3A_316 : vector<16xi32>
        %gather3A_318 = tpu.vector_load_idx %arg5[%add3A_317] : memref<25600xi32, #tpu.memory_space<vmem>>[vector<16xi32>], vector<16xi32>,
        %gather3A_319 = tpu.vector_load_idx %arg8[%gather3A_314, %gather3A_318] : memref<96x32xf32, #tpu.memory_space<vmem>>[vector<16xi32>, vector<16xi32>], vector<16xf32>,
        %add3A_320 = arith.addf %add3A_298, %gather3A_319 : vector<16xf32>
        %add3A_321 = arith.constant 32 : i32
        %add3A_322 = vector.broadcast %add3A_321 : i32 to vector<16xi32>
        %add3A_323 = arith.addi %gather3A_314, %add3A_322 : vector<16xi32>
        %gather3A_324 = tpu.vector_load_idx %arg8[%add3A_323, %gather3A_318] : memref<96x32xf32, #tpu.memory_space<vmem>>[vector<16xi32>, vector<16xi32>], vector<16xf32>,
        %add3A_325 = arith.addf %add3A_303, %gather3A_324 : vector<16xf32>
        %add3A_326 = arith.constant 64 : i32
        %add3A_327 = vector.broadcast %add3A_326 : i32 to vector<16xi32>
        %add3A_328 = arith.addi %gather3A_314, %add3A_327 : vector<16xi32>
        %gather3A_329 = tpu.vector_load_idx %arg8[%add3A_328, %gather3A_318] : memref<96x32xf32, #tpu.memory_space<vmem>>[vector<16xi32>, vector<16xi32>], vector<16xf32>,
        %add3A_330 = arith.addf %add3A_308, %gather3A_329 : vector<16xf32>
        %add3A_331 = arith.constant 2 : i32
        %add3A_332 = vector.broadcast %add3A_331 : i32 to vector<16xi32>
        %add3A_333 = arith.addi %add3A_311, %add3A_332 : vector<16xi32>
        %scan3A_334 = arith.constant 7 : i32
        %scan3A_335 = arith.addi %scan3A_177, %scan3A_334 : i32
        %gather3A_336 = tpu.vector_load_idx %arg5[%add3A_333] : memref<25600xi32, #tpu.memory_space<vmem>>[vector<16xi32>], vector<16xi32>,
        %add3A_337 = arith.constant 1 : i32
        %add3A_338 = vector.broadcast %add3A_337 : i32 to vector<16xi32>
        %add3A_339 = arith.addi %add3A_333, %add3A_338 : vector<16xi32>
        %gather3A_340 = tpu.vector_load_idx %arg5[%add3A_339] : memref<25600xi32, #tpu.memory_space<vmem>>[vector<16xi32>], vector<16xi32>,
        %gather3A_341 = tpu.vector_load_idx %arg8[%gather3A_336, %gather3A_340] : memref<96x32xf32, #tpu.memory_space<vmem>>[vector<16xi32>, vector<16xi32>], vector<16xf32>,
        %add3A_342 = arith.addf %add3A_320, %gather3A_341 : vector<16xf32>
        %add3A_343 = arith.constant 32 : i32
        %add3A_344 = vector.broadcast %add3A_343 : i32 to vector<16xi32>
        %add3A_345 = arith.addi %gather3A_336, %add3A_344 : vector<16xi32>
        %gather3A_346 = tpu.vector_load_idx %arg8[%add3A_345, %gather3A_340] : memref<96x32xf32, #tpu.memory_space<vmem>>[vector<16xi32>, vector<16xi32>], vector<16xf32>,
        %add3A_347 = arith.addf %add3A_325, %gather3A_346 : vector<16xf32>
        %add3A_348 = arith.constant 64 : i32
        %add3A_349 = vector.broadcast %add3A_348 : i32 to vector<16xi32>
        %add3A_350 = arith.addi %gather3A_336, %add3A_349 : vector<16xi32>
        %gather3A_351 = tpu.vector_load_idx %arg8[%add3A_350, %gather3A_340] : memref<96x32xf32, #tpu.memory_space<vmem>>[vector<16xi32>, vector<16xi32>], vector<16xf32>,
        %add3A_352 = arith.addf %add3A_330, %gather3A_351 : vector<16xf32>
        %add3A_353 = arith.constant 2 : i32
        %add3A_354 = vector.broadcast %add3A_353 : i32 to vector<16xi32>
        %add3A_355 = arith.addi %add3A_333, %add3A_354 : vector<16xi32>
        scf.yield %add3A_355, %add3A_342, %add3A_347, %add3A_352 : vector<16xi32>, vector<16xf32>, vector<16xf32>, vector<16xf32>
      }
      %scan3A_89 = arith.constant 96 : i32
      %scan3A_90 = arith.addi %scan3A_84, %scan3A_89 : i32
      %gather3A = tpu.vector_load_idx %arg5[%scan3A_88#0] : memref<25600xi32, #tpu.memory_space<vmem>>[vector<16xi32>], vector<16xi32>,
      %add3A_91 = arith.constant 1 : i32
      %add3A_92 = vector.broadcast %add3A_91 : i32 to vector<16xi32>
      %add3A_93 = arith.addi %scan3A_88#0, %add3A_92 : vector<16xi32>
      %gather3A_94 = tpu.vector_load_idx %arg5[%add3A_93] : memref<25600xi32, #tpu.memory_space<vmem>>[vector<16xi32>], vector<16xi32>,
      %gather3A_95 = tpu.vector_load_idx %arg8[%gather3A, %gather3A_94] : memref<96x32xf32, #tpu.memory_space<vmem>>[vector<16xi32>, vector<16xi32>], vector<16xf32>,
      %add3A_96 = arith.addf %scan3A_88#1, %gather3A_95 : vector<16xf32>
      %add3A_97 = arith.constant 32 : i32
      %add3A_98 = vector.broadcast %add3A_97 : i32 to vector<16xi32>
      %add3A_99 = arith.addi %gather3A, %add3A_98 : vector<16xi32>
      %gather3A_100 = tpu.vector_load_idx %arg8[%add3A_99, %gather3A_94] : memref<96x32xf32, #tpu.memory_space<vmem>>[vector<16xi32>, vector<16xi32>], vector<16xf32>,
      %add3A_101 = arith.addf %scan3A_88#2, %gather3A_100 : vector<16xf32>
      %add3A_102 = arith.constant 64 : i32
      %add3A_103 = vector.broadcast %add3A_102 : i32 to vector<16xi32>
      %add3A_104 = arith.addi %gather3A, %add3A_103 : vector<16xi32>
      %gather3A_105 = tpu.vector_load_idx %arg8[%add3A_104, %gather3A_94] : memref<96x32xf32, #tpu.memory_space<vmem>>[vector<16xi32>, vector<16xi32>], vector<16xf32>,
      %add3A_106 = arith.addf %scan3A_88#3, %gather3A_105 : vector<16xf32>
      %add3A_107 = arith.constant 2 : i32
      %add3A_108 = vector.broadcast %add3A_107 : i32 to vector<16xi32>
      %add3A_109 = arith.addi %scan3A_88#0, %add3A_108 : vector<16xi32>
      %scan3A_110 = arith.constant 97 : i32
      %scan3A_111 = arith.addi %scan3A_84, %scan3A_110 : i32
      %gather3A_112 = tpu.vector_load_idx %arg5[%add3A_109] : memref<25600xi32, #tpu.memory_space<vmem>>[vector<16xi32>], vector<16xi32>,
      %add3A_113 = arith.constant 1 : i32
      %add3A_114 = vector.broadcast %add3A_113 : i32 to vector<16xi32>
      %add3A_115 = arith.addi %add3A_109, %add3A_114 : vector<16xi32>
      %gather3A_116 = tpu.vector_load_idx %arg5[%add3A_115] : memref<25600xi32, #tpu.memory_space<vmem>>[vector<16xi32>], vector<16xi32>,
      %gather3A_117 = tpu.vector_load_idx %arg8[%gather3A_112, %gather3A_116] : memref<96x32xf32, #tpu.memory_space<vmem>>[vector<16xi32>, vector<16xi32>], vector<16xf32>,
      %add3A_118 = arith.addf %add3A_96, %gather3A_117 : vector<16xf32>
      %add3A_119 = arith.constant 32 : i32
      %add3A_120 = vector.broadcast %add3A_119 : i32 to vector<16xi32>
      %add3A_121 = arith.addi %gather3A_112, %add3A_120 : vector<16xi32>
      %gather3A_122 = tpu.vector_load_idx %arg8[%add3A_121, %gather3A_116] : memref<96x32xf32, #tpu.memory_space<vmem>>[vector<16xi32>, vector<16xi32>], vector<16xf32>,
      %add3A_123 = arith.addf %add3A_101, %gather3A_122 : vector<16xf32>
      %add3A_124 = arith.constant 64 : i32
      %add3A_125 = vector.broadcast %add3A_124 : i32 to vector<16xi32>
      %add3A_126 = arith.addi %gather3A_112, %add3A_125 : vector<16xi32>
      %gather3A_127 = tpu.vector_load_idx %arg8[%add3A_126, %gather3A_116] : memref<96x32xf32, #tpu.memory_space<vmem>>[vector<16xi32>, vector<16xi32>], vector<16xf32>,
      %add3A_128 = arith.addf %add3A_106, %gather3A_127 : vector<16xf32>
      %add3A_129 = arith.constant 2 : i32
      %add3A_130 = vector.broadcast %add3A_129 : i32 to vector<16xi32>
      %add3A_131 = arith.addi %add3A_109, %add3A_130 : vector<16xi32>
      %scan3A_132 = arith.constant 98 : i32
      %scan3A_133 = arith.addi %scan3A_84, %scan3A_132 : i32
      %gather3A_134 = tpu.vector_load_idx %arg5[%add3A_131] : memref<25600xi32, #tpu.memory_space<vmem>>[vector<16xi32>], vector<16xi32>,
      %add3A_135 = arith.constant 1 : i32
      %add3A_136 = vector.broadcast %add3A_135 : i32 to vector<16xi32>
      %add3A_137 = arith.addi %add3A_131, %add3A_136 : vector<16xi32>
      %gather3A_138 = tpu.vector_load_idx %arg5[%add3A_137] : memref<25600xi32, #tpu.memory_space<vmem>>[vector<16xi32>], vector<16xi32>,
      %gather3A_139 = tpu.vector_load_idx %arg8[%gather3A_134, %gather3A_138] : memref<96x32xf32, #tpu.memory_space<vmem>>[vector<16xi32>, vector<16xi32>], vector<16xf32>,
      %add3A_140 = arith.addf %add3A_118, %gather3A_139 : vector<16xf32>
      %add3A_141 = arith.constant 32 : i32
      %add3A_142 = vector.broadcast %add3A_141 : i32 to vector<16xi32>
      %add3A_143 = arith.addi %gather3A_134, %add3A_142 : vector<16xi32>
      %gather3A_144 = tpu.vector_load_idx %arg8[%add3A_143, %gather3A_138] : memref<96x32xf32, #tpu.memory_space<vmem>>[vector<16xi32>, vector<16xi32>], vector<16xf32>,
      %add3A_145 = arith.addf %add3A_123, %gather3A_144 : vector<16xf32>
      %add3A_146 = arith.constant 64 : i32
      %add3A_147 = vector.broadcast %add3A_146 : i32 to vector<16xi32>
      %add3A_148 = arith.addi %gather3A_134, %add3A_147 : vector<16xi32>
      %gather3A_149 = tpu.vector_load_idx %arg8[%add3A_148, %gather3A_138] : memref<96x32xf32, #tpu.memory_space<vmem>>[vector<16xi32>, vector<16xi32>], vector<16xf32>,
      %add3A_150 = arith.addf %add3A_128, %gather3A_149 : vector<16xf32>
      %add3A_151 = arith.constant 2 : i32
      %add3A_152 = vector.broadcast %add3A_151 : i32 to vector<16xi32>
      %add3A_153 = arith.addi %add3A_131, %add3A_152 : vector<16xi32>
      %scan3A_154 = arith.constant 99 : i32
      %scan3A_155 = arith.addi %scan3A_84, %scan3A_154 : i32
      %gather3A_156 = tpu.vector_load_idx %arg5[%add3A_153] : memref<25600xi32, #tpu.memory_space<vmem>>[vector<16xi32>], vector<16xi32>,
      %add3A_157 = arith.constant 1 : i32
      %add3A_158 = vector.broadcast %add3A_157 : i32 to vector<16xi32>
      %add3A_159 = arith.addi %add3A_153, %add3A_158 : vector<16xi32>
      %gather3A_160 = tpu.vector_load_idx %arg5[%add3A_159] : memref<25600xi32, #tpu.memory_space<vmem>>[vector<16xi32>], vector<16xi32>,
      %gather3A_161 = tpu.vector_load_idx %arg8[%gather3A_156, %gather3A_160] : memref<96x32xf32, #tpu.memory_space<vmem>>[vector<16xi32>, vector<16xi32>], vector<16xf32>,
      %add3A_162 = arith.addf %add3A_140, %gather3A_161 : vector<16xf32>
      %add3A_163 = arith.constant 32 : i32
      %add3A_164 = vector.broadcast %add3A_163 : i32 to vector<16xi32>
      %add3A_165 = arith.addi %gather3A_156, %add3A_164 : vector<16xi32>
      %gather3A_166 = tpu.vector_load_idx %arg8[%add3A_165, %gather3A_160] : memref<96x32xf32, #tpu.memory_space<vmem>>[vector<16xi32>, vector<16xi32>], vector<16xf32>,
      %add3A_167 = arith.addf %add3A_145, %gather3A_166 : vector<16xf32>
      %add3A_168 = arith.constant 64 : i32
      %add3A_169 = vector.broadcast %add3A_168 : i32 to vector<16xi32>
      %add3A_170 = arith.addi %gather3A_156, %add3A_169 : vector<16xi32>
      %gather3A_171 = tpu.vector_load_idx %arg8[%add3A_170, %gather3A_160] : memref<96x32xf32, #tpu.memory_space<vmem>>[vector<16xi32>, vector<16xi32>], vector<16xf32>,
      %add3A_172 = arith.addf %add3A_150, %gather3A_171 : vector<16xf32>
      %add3A_173 = arith.constant 2 : i32
      %add3A_174 = vector.broadcast %add3A_173 : i32 to vector<16xi32>
      %add3A_175 = arith.addi %add3A_153, %add3A_174 : vector<16xi32>
      %scan3A_176 = arith.constant 100 : i32
      tpu.vector_store_idx %arg9[%add3A_80, %broadcast_in_dim3A_6], %add3A_162 : memref<128x3xf32, #tpu.memory_space<vmem>>[vector<16xi32>, vector<16xi32>], vector<16xf32>,
      tpu.vector_store_idx %arg9[%add3A_80, %add3A_9], %add3A_167 : memref<128x3xf32, #tpu.memory_space<vmem>>[vector<16xi32>, vector<16xi32>], vector<16xf32>,
      tpu.vector_store_idx %arg9[%add3A_80, %add3A_12], %add3A_172 : memref<128x3xf32, #tpu.memory_space<vmem>>[vector<16xi32>, vector<16xi32>], vector<16xf32>,
    }
    %scan3A_30 = arith.constant 8 : i32
    %add3A_31 = arith.constant 0 : i32
    %add3A_32 = arith.addi %mul3A_2, %add3A_31 : i32
    "tpu.region"() ({
      %run_scoped3A = tpu.sem_alloc : memref<!tpu.dma_semaphore, #tpu.memory_space<semaphore_mem>>
      %dma_start3A_72 = arith.constant 0 : i32
      %dma_start3A_73 = tpu.memref_slice %arg4[%add3A_32, %dma_start3A_72] : memref<16384x3xf32, #tpu.memory_space<hbm>> -> memref<128x3xf32, #tpu.memory_space<hbm>>
      %dma_start3A_74 = arith.constant 0 : i32
      %dma_start3A_75 = tpu.memref_slice %arg4[%add3A_32, %dma_start3A_74] : memref<16384x3xf32, #tpu.memory_space<hbm>> -> memref<128x3xf32, #tpu.memory_space<hbm>>
      tpu.enqueue_dma source(%arg9 : memref<128x3xf32, #tpu.memory_space<vmem>>) target(%dma_start3A_75 : memref<128x3xf32, #tpu.memory_space<hbm>>) target_semaphore(%run_scoped3A : memref<!tpu.dma_semaphore, #tpu.memory_space<semaphore_mem>>)
      %dma_wait3A_76 = arith.constant 0 : i32
      %dma_wait3A_77 = tpu.memref_slice %arg4[%add3A_32, %dma_wait3A_76] : memref<16384x3xf32, #tpu.memory_space<hbm>> -> memref<128x3xf32, #tpu.memory_space<hbm>>
      %dma_wait3A_78 = arith.constant 0 : i32
      %dma_wait3A_79 = tpu.memref_slice %arg4[%add3A_32, %dma_wait3A_78] : memref<16384x3xf32, #tpu.memory_space<hbm>> -> memref<128x3xf32, #tpu.memory_space<hbm>>
      tpu.wait_dma2 semaphore(%run_scoped3A : memref<!tpu.dma_semaphore, #tpu.memory_space<semaphore_mem>>) src(%arg9 : memref<128x3xf32, #tpu.memory_space<vmem>>) dst(%dma_wait3A_79 : memref<128x3xf32, #tpu.memory_space<hbm>>)
      tpu.yield
    }) : () -> ()
    %add3A_33 = arith.constant 256 : i32
    %add3A_34 = arith.addi %mul3A_2, %add3A_33 : i32
    %mul3A_35 = arith.constant 200 : i32
    %mul3A_36 = arith.muli %add3A_34, %mul3A_35 : i32
    %dma_start3A_37 = tpu.memref_slice %arg2[%mul3A_36] : memref<3276800xi32, #tpu.memory_space<hbm>> -> memref<25600xi32, #tpu.memory_space<hbm>>
    %dma_start3A_38 = tpu.memref_slice %arg2[%mul3A_36] : memref<3276800xi32, #tpu.memory_space<hbm>> -> memref<25600xi32, #tpu.memory_space<hbm>>
    tpu.enqueue_dma source(%dma_start3A_38 : memref<25600xi32, #tpu.memory_space<hbm>>) target(%arg5 : memref<25600xi32, #tpu.memory_space<vmem>>) target_semaphore(%arg10 : memref<!tpu.dma_semaphore, #tpu.memory_space<semaphore_mem>>)
    %dma_wait3A_39 = tpu.memref_slice %arg2[%mul3A_22] : memref<3276800xi32, #tpu.memory_space<hbm>> -> memref<25600xi32, #tpu.memory_space<hbm>>
    %dma_wait3A_40 = tpu.memref_slice %arg2[%mul3A_22] : memref<3276800xi32, #tpu.memory_space<hbm>> -> memref<25600xi32, #tpu.memory_space<hbm>>
    tpu.wait_dma2 semaphore(%arg11 : memref<!tpu.dma_semaphore, #tpu.memory_space<semaphore_mem>>) src(%dma_wait3A_40 : memref<25600xi32, #tpu.memory_space<hbm>>) dst(%arg6 : memref<25600xi32, #tpu.memory_space<vmem>>)
    %scan3A_41 = arith.constant 0 : i32
    %scan3A_42 = arith.constant 8 : i32
    %scan3A_43 = arith.addi %scan3A_41, %scan3A_42 : i32
    %scan3A_44 = arith.constant 1 : i32
    scf.for %scan3A_72 = %scan3A_41 to %scan3A_43 step %scan3A_44  : i32 {
      %mul3A_73 = arith.constant 1 : i32
      %mul3A_74 = arith.muli %scan3A_72, %mul3A_73 : i32
      %add3A_75 = arith.constant 0 : i32
      %add3A_76 = arith.addi %add3A_75, %mul3A_74 : i32
      %mul3A_77 = arith.constant 16 : i32
      %mul3A_78 = arith.muli %add3A_76, %mul3A_77 : i32
      %add3A_79 = vector.broadcast %mul3A_78 : i32 to vector<16xi32>
      %add3A_80 = arith.addi %iota3A, %add3A_79 : vector<16xi32>
      %mul3A_81 = arith.constant 200 : i32
      %mul3A_82 = vector.broadcast %mul3A_81 : i32 to vector<16xi32>
      %mul3A_83 = arith.muli %add3A_80, %mul3A_82 : vector<16xi32>
      %scan3A_84 = arith.constant 0 : i32
      %scan3A_85 = arith.constant 96 : i32
      %scan3A_86 = arith.addi %scan3A_84, %scan3A_85 : i32
      %scan3A_87 = arith.constant 8 : i32
      %scan3A_88:4 = scf.for %scan3A_177 = %scan3A_84 to %scan3A_86 step %scan3A_87 iter_args(%scan3A_178 = %mul3A_83, %scan3A_179 = %broadcast_in_dim3A_14, %scan3A_180 = %broadcast_in_dim3A_14, %scan3A_181 = %broadcast_in_dim3A_14) -> (vector<16xi32>, vector<16xf32>, vector<16xf32>, vector<16xf32>)  : i32 {
        %gather3A_182 = tpu.vector_load_idx %arg6[%scan3A_178] : memref<25600xi32, #tpu.memory_space<vmem>>[vector<16xi32>], vector<16xi32>,
        %add3A_183 = arith.constant 1 : i32
        %add3A_184 = vector.broadcast %add3A_183 : i32 to vector<16xi32>
        %add3A_185 = arith.addi %scan3A_178, %add3A_184 : vector<16xi32>
        %gather3A_186 = tpu.vector_load_idx %arg6[%add3A_185] : memref<25600xi32, #tpu.memory_space<vmem>>[vector<16xi32>], vector<16xi32>,
        %gather3A_187 = tpu.vector_load_idx %arg8[%gather3A_182, %gather3A_186] : memref<96x32xf32, #tpu.memory_space<vmem>>[vector<16xi32>, vector<16xi32>], vector<16xf32>,
        %add3A_188 = arith.addf %scan3A_179, %gather3A_187 : vector<16xf32>
        %add3A_189 = arith.constant 32 : i32
        %add3A_190 = vector.broadcast %add3A_189 : i32 to vector<16xi32>
        %add3A_191 = arith.addi %gather3A_182, %add3A_190 : vector<16xi32>
        %gather3A_192 = tpu.vector_load_idx %arg8[%add3A_191, %gather3A_186] : memref<96x32xf32, #tpu.memory_space<vmem>>[vector<16xi32>, vector<16xi32>], vector<16xf32>,
        %add3A_193 = arith.addf %scan3A_180, %gather3A_192 : vector<16xf32>
        %add3A_194 = arith.constant 64 : i32
        %add3A_195 = vector.broadcast %add3A_194 : i32 to vector<16xi32>
        %add3A_196 = arith.addi %gather3A_182, %add3A_195 : vector<16xi32>
        %gather3A_197 = tpu.vector_load_idx %arg8[%add3A_196, %gather3A_186] : memref<96x32xf32, #tpu.memory_space<vmem>>[vector<16xi32>, vector<16xi32>], vector<16xf32>,
        %add3A_198 = arith.addf %scan3A_181, %gather3A_197 : vector<16xf32>
        %add3A_199 = arith.constant 2 : i32
        %add3A_200 = vector.broadcast %add3A_199 : i32 to vector<16xi32>
        %add3A_201 = arith.addi %scan3A_178, %add3A_200 : vector<16xi32>
        %scan3A_202 = arith.constant 1 : i32
        %scan3A_203 = arith.addi %scan3A_177, %scan3A_202 : i32
        %gather3A_204 = tpu.vector_load_idx %arg6[%add3A_201] : memref<25600xi32, #tpu.memory_space<vmem>>[vector<16xi32>], vector<16xi32>,
        %add3A_205 = arith.constant 1 : i32
        %add3A_206 = vector.broadcast %add3A_205 : i32 to vector<16xi32>
        %add3A_207 = arith.addi %add3A_201, %add3A_206 : vector<16xi32>
        %gather3A_208 = tpu.vector_load_idx %arg6[%add3A_207] : memref<25600xi32, #tpu.memory_space<vmem>>[vector<16xi32>], vector<16xi32>,
        %gather3A_209 = tpu.vector_load_idx %arg8[%gather3A_204, %gather3A_208] : memref<96x32xf32, #tpu.memory_space<vmem>>[vector<16xi32>, vector<16xi32>], vector<16xf32>,
        %add3A_210 = arith.addf %add3A_188, %gather3A_209 : vector<16xf32>
        %add3A_211 = arith.constant 32 : i32
        %add3A_212 = vector.broadcast %add3A_211 : i32 to vector<16xi32>
        %add3A_213 = arith.addi %gather3A_204, %add3A_212 : vector<16xi32>
        %gather3A_214 = tpu.vector_load_idx %arg8[%add3A_213, %gather3A_208] : memref<96x32xf32, #tpu.memory_space<vmem>>[vector<16xi32>, vector<16xi32>], vector<16xf32>,
        %add3A_215 = arith.addf %add3A_193, %gather3A_214 : vector<16xf32>
        %add3A_216 = arith.constant 64 : i32
        %add3A_217 = vector.broadcast %add3A_216 : i32 to vector<16xi32>
        %add3A_218 = arith.addi %gather3A_204, %add3A_217 : vector<16xi32>
        %gather3A_219 = tpu.vector_load_idx %arg8[%add3A_218, %gather3A_208] : memref<96x32xf32, #tpu.memory_space<vmem>>[vector<16xi32>, vector<16xi32>], vector<16xf32>,
        %add3A_220 = arith.addf %add3A_198, %gather3A_219 : vector<16xf32>
        %add3A_221 = arith.constant 2 : i32
        %add3A_222 = vector.broadcast %add3A_221 : i32 to vector<16xi32>
        %add3A_223 = arith.addi %add3A_201, %add3A_222 : vector<16xi32>
        %scan3A_224 = arith.constant 2 : i32
        %scan3A_225 = arith.addi %scan3A_177, %scan3A_224 : i32
        %gather3A_226 = tpu.vector_load_idx %arg6[%add3A_223] : memref<25600xi32, #tpu.memory_space<vmem>>[vector<16xi32>], vector<16xi32>,
        %add3A_227 = arith.constant 1 : i32
        %add3A_228 = vector.broadcast %add3A_227 : i32 to vector<16xi32>
        %add3A_229 = arith.addi %add3A_223, %add3A_228 : vector<16xi32>
        %gather3A_230 = tpu.vector_load_idx %arg6[%add3A_229] : memref<25600xi32, #tpu.memory_space<vmem>>[vector<16xi32>], vector<16xi32>,
        %gather3A_231 = tpu.vector_load_idx %arg8[%gather3A_226, %gather3A_230] : memref<96x32xf32, #tpu.memory_space<vmem>>[vector<16xi32>, vector<16xi32>], vector<16xf32>,
        %add3A_232 = arith.addf %add3A_210, %gather3A_231 : vector<16xf32>
        %add3A_233 = arith.constant 32 : i32
        %add3A_234 = vector.broadcast %add3A_233 : i32 to vector<16xi32>
        %add3A_235 = arith.addi %gather3A_226, %add3A_234 : vector<16xi32>
        %gather3A_236 = tpu.vector_load_idx %arg8[%add3A_235, %gather3A_230] : memref<96x32xf32, #tpu.memory_space<vmem>>[vector<16xi32>, vector<16xi32>], vector<16xf32>,
        %add3A_237 = arith.addf %add3A_215, %gather3A_236 : vector<16xf32>
        %add3A_238 = arith.constant 64 : i32
        %add3A_239 = vector.broadcast %add3A_238 : i32 to vector<16xi32>
        %add3A_240 = arith.addi %gather3A_226, %add3A_239 : vector<16xi32>
        %gather3A_241 = tpu.vector_load_idx %arg8[%add3A_240, %gather3A_230] : memref<96x32xf32, #tpu.memory_space<vmem>>[vector<16xi32>, vector<16xi32>], vector<16xf32>,
        %add3A_242 = arith.addf %add3A_220, %gather3A_241 : vector<16xf32>
        %add3A_243 = arith.constant 2 : i32
        %add3A_244 = vector.broadcast %add3A_243 : i32 to vector<16xi32>
        %add3A_245 = arith.addi %add3A_223, %add3A_244 : vector<16xi32>
        %scan3A_246 = arith.constant 3 : i32
        %scan3A_247 = arith.addi %scan3A_177, %scan3A_246 : i32
        %gather3A_248 = tpu.vector_load_idx %arg6[%add3A_245] : memref<25600xi32, #tpu.memory_space<vmem>>[vector<16xi32>], vector<16xi32>,
        %add3A_249 = arith.constant 1 : i32
        %add3A_250 = vector.broadcast %add3A_249 : i32 to vector<16xi32>
        %add3A_251 = arith.addi %add3A_245, %add3A_250 : vector<16xi32>
        %gather3A_252 = tpu.vector_load_idx %arg6[%add3A_251] : memref<25600xi32, #tpu.memory_space<vmem>>[vector<16xi32>], vector<16xi32>,
        %gather3A_253 = tpu.vector_load_idx %arg8[%gather3A_248, %gather3A_252] : memref<96x32xf32, #tpu.memory_space<vmem>>[vector<16xi32>, vector<16xi32>], vector<16xf32>,
        %add3A_254 = arith.addf %add3A_232, %gather3A_253 : vector<16xf32>
        %add3A_255 = arith.constant 32 : i32
        %add3A_256 = vector.broadcast %add3A_255 : i32 to vector<16xi32>
        %add3A_257 = arith.addi %gather3A_248, %add3A_256 : vector<16xi32>
        %gather3A_258 = tpu.vector_load_idx %arg8[%add3A_257, %gather3A_252] : memref<96x32xf32, #tpu.memory_space<vmem>>[vector<16xi32>, vector<16xi32>], vector<16xf32>,
        %add3A_259 = arith.addf %add3A_237, %gather3A_258 : vector<16xf32>
        %add3A_260 = arith.constant 64 : i32
        %add3A_261 = vector.broadcast %add3A_260 : i32 to vector<16xi32>
        %add3A_262 = arith.addi %gather3A_248, %add3A_261 : vector<16xi32>
        %gather3A_263 = tpu.vector_load_idx %arg8[%add3A_262, %gather3A_252] : memref<96x32xf32, #tpu.memory_space<vmem>>[vector<16xi32>, vector<16xi32>], vector<16xf32>,
        %add3A_264 = arith.addf %add3A_242, %gather3A_263 : vector<16xf32>
        %add3A_265 = arith.constant 2 : i32
        %add3A_266 = vector.broadcast %add3A_265 : i32 to vector<16xi32>
        %add3A_267 = arith.addi %add3A_245, %add3A_266 : vector<16xi32>
        %scan3A_268 = arith.constant 4 : i32
        %scan3A_269 = arith.addi %scan3A_177, %scan3A_268 : i32
        %gather3A_270 = tpu.vector_load_idx %arg6[%add3A_267] : memref<25600xi32, #tpu.memory_space<vmem>>[vector<16xi32>], vector<16xi32>,
        %add3A_271 = arith.constant 1 : i32
        %add3A_272 = vector.broadcast %add3A_271 : i32 to vector<16xi32>
        %add3A_273 = arith.addi %add3A_267, %add3A_272 : vector<16xi32>
        %gather3A_274 = tpu.vector_load_idx %arg6[%add3A_273] : memref<25600xi32, #tpu.memory_space<vmem>>[vector<16xi32>], vector<16xi32>,
        %gather3A_275 = tpu.vector_load_idx %arg8[%gather3A_270, %gather3A_274] : memref<96x32xf32, #tpu.memory_space<vmem>>[vector<16xi32>, vector<16xi32>], vector<16xf32>,
        %add3A_276 = arith.addf %add3A_254, %gather3A_275 : vector<16xf32>
        %add3A_277 = arith.constant 32 : i32
        %add3A_278 = vector.broadcast %add3A_277 : i32 to vector<16xi32>
        %add3A_279 = arith.addi %gather3A_270, %add3A_278 : vector<16xi32>
        %gather3A_280 = tpu.vector_load_idx %arg8[%add3A_279, %gather3A_274] : memref<96x32xf32, #tpu.memory_space<vmem>>[vector<16xi32>, vector<16xi32>], vector<16xf32>,
        %add3A_281 = arith.addf %add3A_259, %gather3A_280 : vector<16xf32>
        %add3A_282 = arith.constant 64 : i32
        %add3A_283 = vector.broadcast %add3A_282 : i32 to vector<16xi32>
        %add3A_284 = arith.addi %gather3A_270, %add3A_283 : vector<16xi32>
        %gather3A_285 = tpu.vector_load_idx %arg8[%add3A_284, %gather3A_274] : memref<96x32xf32, #tpu.memory_space<vmem>>[vector<16xi32>, vector<16xi32>], vector<16xf32>,
        %add3A_286 = arith.addf %add3A_264, %gather3A_285 : vector<16xf32>
        %add3A_287 = arith.constant 2 : i32
        %add3A_288 = vector.broadcast %add3A_287 : i32 to vector<16xi32>
        %add3A_289 = arith.addi %add3A_267, %add3A_288 : vector<16xi32>
        %scan3A_290 = arith.constant 5 : i32
        %scan3A_291 = arith.addi %scan3A_177, %scan3A_290 : i32
        %gather3A_292 = tpu.vector_load_idx %arg6[%add3A_289] : memref<25600xi32, #tpu.memory_space<vmem>>[vector<16xi32>], vector<16xi32>,
        %add3A_293 = arith.constant 1 : i32
        %add3A_294 = vector.broadcast %add3A_293 : i32 to vector<16xi32>
        %add3A_295 = arith.addi %add3A_289, %add3A_294 : vector<16xi32>
        %gather3A_296 = tpu.vector_load_idx %arg6[%add3A_295] : memref<25600xi32, #tpu.memory_space<vmem>>[vector<16xi32>], vector<16xi32>,
        %gather3A_297 = tpu.vector_load_idx %arg8[%gather3A_292, %gather3A_296] : memref<96x32xf32, #tpu.memory_space<vmem>>[vector<16xi32>, vector<16xi32>], vector<16xf32>,
        %add3A_298 = arith.addf %add3A_276, %gather3A_297 : vector<16xf32>
        %add3A_299 = arith.constant 32 : i32
        %add3A_300 = vector.broadcast %add3A_299 : i32 to vector<16xi32>
        %add3A_301 = arith.addi %gather3A_292, %add3A_300 : vector<16xi32>
        %gather3A_302 = tpu.vector_load_idx %arg8[%add3A_301, %gather3A_296] : memref<96x32xf32, #tpu.memory_space<vmem>>[vector<16xi32>, vector<16xi32>], vector<16xf32>,
        %add3A_303 = arith.addf %add3A_281, %gather3A_302 : vector<16xf32>
        %add3A_304 = arith.constant 64 : i32
        %add3A_305 = vector.broadcast %add3A_304 : i32 to vector<16xi32>
        %add3A_306 = arith.addi %gather3A_292, %add3A_305 : vector<16xi32>
        %gather3A_307 = tpu.vector_load_idx %arg8[%add3A_306, %gather3A_296] : memref<96x32xf32, #tpu.memory_space<vmem>>[vector<16xi32>, vector<16xi32>], vector<16xf32>,
        %add3A_308 = arith.addf %add3A_286, %gather3A_307 : vector<16xf32>
        %add3A_309 = arith.constant 2 : i32
        %add3A_310 = vector.broadcast %add3A_309 : i32 to vector<16xi32>
        %add3A_311 = arith.addi %add3A_289, %add3A_310 : vector<16xi32>
        %scan3A_312 = arith.constant 6 : i32
        %scan3A_313 = arith.addi %scan3A_177, %scan3A_312 : i32
        %gather3A_314 = tpu.vector_load_idx %arg6[%add3A_311] : memref<25600xi32, #tpu.memory_space<vmem>>[vector<16xi32>], vector<16xi32>,
        %add3A_315 = arith.constant 1 : i32
        %add3A_316 = vector.broadcast %add3A_315 : i32 to vector<16xi32>
        %add3A_317 = arith.addi %add3A_311, %add3A_316 : vector<16xi32>
        %gather3A_318 = tpu.vector_load_idx %arg6[%add3A_317] : memref<25600xi32, #tpu.memory_space<vmem>>[vector<16xi32>], vector<16xi32>,
        %gather3A_319 = tpu.vector_load_idx %arg8[%gather3A_314, %gather3A_318] : memref<96x32xf32, #tpu.memory_space<vmem>>[vector<16xi32>, vector<16xi32>], vector<16xf32>,
        %add3A_320 = arith.addf %add3A_298, %gather3A_319 : vector<16xf32>
        %add3A_321 = arith.constant 32 : i32
        %add3A_322 = vector.broadcast %add3A_321 : i32 to vector<16xi32>
        %add3A_323 = arith.addi %gather3A_314, %add3A_322 : vector<16xi32>
        %gather3A_324 = tpu.vector_load_idx %arg8[%add3A_323, %gather3A_318] : memref<96x32xf32, #tpu.memory_space<vmem>>[vector<16xi32>, vector<16xi32>], vector<16xf32>,
        %add3A_325 = arith.addf %add3A_303, %gather3A_324 : vector<16xf32>
        %add3A_326 = arith.constant 64 : i32
        %add3A_327 = vector.broadcast %add3A_326 : i32 to vector<16xi32>
        %add3A_328 = arith.addi %gather3A_314, %add3A_327 : vector<16xi32>
        %gather3A_329 = tpu.vector_load_idx %arg8[%add3A_328, %gather3A_318] : memref<96x32xf32, #tpu.memory_space<vmem>>[vector<16xi32>, vector<16xi32>], vector<16xf32>,
        %add3A_330 = arith.addf %add3A_308, %gather3A_329 : vector<16xf32>
        %add3A_331 = arith.constant 2 : i32
        %add3A_332 = vector.broadcast %add3A_331 : i32 to vector<16xi32>
        %add3A_333 = arith.addi %add3A_311, %add3A_332 : vector<16xi32>
        %scan3A_334 = arith.constant 7 : i32
        %scan3A_335 = arith.addi %scan3A_177, %scan3A_334 : i32
        %gather3A_336 = tpu.vector_load_idx %arg6[%add3A_333] : memref<25600xi32, #tpu.memory_space<vmem>>[vector<16xi32>], vector<16xi32>,
        %add3A_337 = arith.constant 1 : i32
        %add3A_338 = vector.broadcast %add3A_337 : i32 to vector<16xi32>
        %add3A_339 = arith.addi %add3A_333, %add3A_338 : vector<16xi32>
        %gather3A_340 = tpu.vector_load_idx %arg6[%add3A_339] : memref<25600xi32, #tpu.memory_space<vmem>>[vector<16xi32>], vector<16xi32>,
        %gather3A_341 = tpu.vector_load_idx %arg8[%gather3A_336, %gather3A_340] : memref<96x32xf32, #tpu.memory_space<vmem>>[vector<16xi32>, vector<16xi32>], vector<16xf32>,
        %add3A_342 = arith.addf %add3A_320, %gather3A_341 : vector<16xf32>
        %add3A_343 = arith.constant 32 : i32
        %add3A_344 = vector.broadcast %add3A_343 : i32 to vector<16xi32>
        %add3A_345 = arith.addi %gather3A_336, %add3A_344 : vector<16xi32>
        %gather3A_346 = tpu.vector_load_idx %arg8[%add3A_345, %gather3A_340] : memref<96x32xf32, #tpu.memory_space<vmem>>[vector<16xi32>, vector<16xi32>], vector<16xf32>,
        %add3A_347 = arith.addf %add3A_325, %gather3A_346 : vector<16xf32>
        %add3A_348 = arith.constant 64 : i32
        %add3A_349 = vector.broadcast %add3A_348 : i32 to vector<16xi32>
        %add3A_350 = arith.addi %gather3A_336, %add3A_349 : vector<16xi32>
        %gather3A_351 = tpu.vector_load_idx %arg8[%add3A_350, %gather3A_340] : memref<96x32xf32, #tpu.memory_space<vmem>>[vector<16xi32>, vector<16xi32>], vector<16xf32>,
        %add3A_352 = arith.addf %add3A_330, %gather3A_351 : vector<16xf32>
        %add3A_353 = arith.constant 2 : i32
        %add3A_354 = vector.broadcast %add3A_353 : i32 to vector<16xi32>
        %add3A_355 = arith.addi %add3A_333, %add3A_354 : vector<16xi32>
        scf.yield %add3A_355, %add3A_342, %add3A_347, %add3A_352 : vector<16xi32>, vector<16xf32>, vector<16xf32>, vector<16xf32>
      }
      %scan3A_89 = arith.constant 96 : i32
      %scan3A_90 = arith.addi %scan3A_84, %scan3A_89 : i32
      %gather3A = tpu.vector_load_idx %arg6[%scan3A_88#0] : memref<25600xi32, #tpu.memory_space<vmem>>[vector<16xi32>], vector<16xi32>,
      %add3A_91 = arith.constant 1 : i32
      %add3A_92 = vector.broadcast %add3A_91 : i32 to vector<16xi32>
      %add3A_93 = arith.addi %scan3A_88#0, %add3A_92 : vector<16xi32>
      %gather3A_94 = tpu.vector_load_idx %arg6[%add3A_93] : memref<25600xi32, #tpu.memory_space<vmem>>[vector<16xi32>], vector<16xi32>,
      %gather3A_95 = tpu.vector_load_idx %arg8[%gather3A, %gather3A_94] : memref<96x32xf32, #tpu.memory_space<vmem>>[vector<16xi32>, vector<16xi32>], vector<16xf32>,
      %add3A_96 = arith.addf %scan3A_88#1, %gather3A_95 : vector<16xf32>
      %add3A_97 = arith.constant 32 : i32
      %add3A_98 = vector.broadcast %add3A_97 : i32 to vector<16xi32>
      %add3A_99 = arith.addi %gather3A, %add3A_98 : vector<16xi32>
      %gather3A_100 = tpu.vector_load_idx %arg8[%add3A_99, %gather3A_94] : memref<96x32xf32, #tpu.memory_space<vmem>>[vector<16xi32>, vector<16xi32>], vector<16xf32>,
      %add3A_101 = arith.addf %scan3A_88#2, %gather3A_100 : vector<16xf32>
      %add3A_102 = arith.constant 64 : i32
      %add3A_103 = vector.broadcast %add3A_102 : i32 to vector<16xi32>
      %add3A_104 = arith.addi %gather3A, %add3A_103 : vector<16xi32>
      %gather3A_105 = tpu.vector_load_idx %arg8[%add3A_104, %gather3A_94] : memref<96x32xf32, #tpu.memory_space<vmem>>[vector<16xi32>, vector<16xi32>], vector<16xf32>,
      %add3A_106 = arith.addf %scan3A_88#3, %gather3A_105 : vector<16xf32>
      %add3A_107 = arith.constant 2 : i32
      %add3A_108 = vector.broadcast %add3A_107 : i32 to vector<16xi32>
      %add3A_109 = arith.addi %scan3A_88#0, %add3A_108 : vector<16xi32>
      %scan3A_110 = arith.constant 97 : i32
      %scan3A_111 = arith.addi %scan3A_84, %scan3A_110 : i32
      %gather3A_112 = tpu.vector_load_idx %arg6[%add3A_109] : memref<25600xi32, #tpu.memory_space<vmem>>[vector<16xi32>], vector<16xi32>,
      %add3A_113 = arith.constant 1 : i32
      %add3A_114 = vector.broadcast %add3A_113 : i32 to vector<16xi32>
      %add3A_115 = arith.addi %add3A_109, %add3A_114 : vector<16xi32>
      %gather3A_116 = tpu.vector_load_idx %arg6[%add3A_115] : memref<25600xi32, #tpu.memory_space<vmem>>[vector<16xi32>], vector<16xi32>,
      %gather3A_117 = tpu.vector_load_idx %arg8[%gather3A_112, %gather3A_116] : memref<96x32xf32, #tpu.memory_space<vmem>>[vector<16xi32>, vector<16xi32>], vector<16xf32>,
      %add3A_118 = arith.addf %add3A_96, %gather3A_117 : vector<16xf32>
      %add3A_119 = arith.constant 32 : i32
      %add3A_120 = vector.broadcast %add3A_119 : i32 to vector<16xi32>
      %add3A_121 = arith.addi %gather3A_112, %add3A_120 : vector<16xi32>
      %gather3A_122 = tpu.vector_load_idx %arg8[%add3A_121, %gather3A_116] : memref<96x32xf32, #tpu.memory_space<vmem>>[vector<16xi32>, vector<16xi32>], vector<16xf32>,
      %add3A_123 = arith.addf %add3A_101, %gather3A_122 : vector<16xf32>
      %add3A_124 = arith.constant 64 : i32
      %add3A_125 = vector.broadcast %add3A_124 : i32 to vector<16xi32>
      %add3A_126 = arith.addi %gather3A_112, %add3A_125 : vector<16xi32>
      %gather3A_127 = tpu.vector_load_idx %arg8[%add3A_126, %gather3A_116] : memref<96x32xf32, #tpu.memory_space<vmem>>[vector<16xi32>, vector<16xi32>], vector<16xf32>,
      %add3A_128 = arith.addf %add3A_106, %gather3A_127 : vector<16xf32>
      %add3A_129 = arith.constant 2 : i32
      %add3A_130 = vector.broadcast %add3A_129 : i32 to vector<16xi32>
      %add3A_131 = arith.addi %add3A_109, %add3A_130 : vector<16xi32>
      %scan3A_132 = arith.constant 98 : i32
      %scan3A_133 = arith.addi %scan3A_84, %scan3A_132 : i32
      %gather3A_134 = tpu.vector_load_idx %arg6[%add3A_131] : memref<25600xi32, #tpu.memory_space<vmem>>[vector<16xi32>], vector<16xi32>,
      %add3A_135 = arith.constant 1 : i32
      %add3A_136 = vector.broadcast %add3A_135 : i32 to vector<16xi32>
      %add3A_137 = arith.addi %add3A_131, %add3A_136 : vector<16xi32>
      %gather3A_138 = tpu.vector_load_idx %arg6[%add3A_137] : memref<25600xi32, #tpu.memory_space<vmem>>[vector<16xi32>], vector<16xi32>,
      %gather3A_139 = tpu.vector_load_idx %arg8[%gather3A_134, %gather3A_138] : memref<96x32xf32, #tpu.memory_space<vmem>>[vector<16xi32>, vector<16xi32>], vector<16xf32>,
      %add3A_140 = arith.addf %add3A_118, %gather3A_139 : vector<16xf32>
      %add3A_141 = arith.constant 32 : i32
      %add3A_142 = vector.broadcast %add3A_141 : i32 to vector<16xi32>
      %add3A_143 = arith.addi %gather3A_134, %add3A_142 : vector<16xi32>
      %gather3A_144 = tpu.vector_load_idx %arg8[%add3A_143, %gather3A_138] : memref<96x32xf32, #tpu.memory_space<vmem>>[vector<16xi32>, vector<16xi32>], vector<16xf32>,
      %add3A_145 = arith.addf %add3A_123, %gather3A_144 : vector<16xf32>
      %add3A_146 = arith.constant 64 : i32
      %add3A_147 = vector.broadcast %add3A_146 : i32 to vector<16xi32>
      %add3A_148 = arith.addi %gather3A_134, %add3A_147 : vector<16xi32>
      %gather3A_149 = tpu.vector_load_idx %arg8[%add3A_148, %gather3A_138] : memref<96x32xf32, #tpu.memory_space<vmem>>[vector<16xi32>, vector<16xi32>], vector<16xf32>,
      %add3A_150 = arith.addf %add3A_128, %gather3A_149 : vector<16xf32>
      %add3A_151 = arith.constant 2 : i32
      %add3A_152 = vector.broadcast %add3A_151 : i32 to vector<16xi32>
      %add3A_153 = arith.addi %add3A_131, %add3A_152 : vector<16xi32>
      %scan3A_154 = arith.constant 99 : i32
      %scan3A_155 = arith.addi %scan3A_84, %scan3A_154 : i32
      %gather3A_156 = tpu.vector_load_idx %arg6[%add3A_153] : memref<25600xi32, #tpu.memory_space<vmem>>[vector<16xi32>], vector<16xi32>,
      %add3A_157 = arith.constant 1 : i32
      %add3A_158 = vector.broadcast %add3A_157 : i32 to vector<16xi32>
      %add3A_159 = arith.addi %add3A_153, %add3A_158 : vector<16xi32>
      %gather3A_160 = tpu.vector_load_idx %arg6[%add3A_159] : memref<25600xi32, #tpu.memory_space<vmem>>[vector<16xi32>], vector<16xi32>,
      %gather3A_161 = tpu.vector_load_idx %arg8[%gather3A_156, %gather3A_160] : memref<96x32xf32, #tpu.memory_space<vmem>>[vector<16xi32>, vector<16xi32>], vector<16xf32>,
      %add3A_162 = arith.addf %add3A_140, %gather3A_161 : vector<16xf32>
      %add3A_163 = arith.constant 32 : i32
      %add3A_164 = vector.broadcast %add3A_163 : i32 to vector<16xi32>
      %add3A_165 = arith.addi %gather3A_156, %add3A_164 : vector<16xi32>
      %gather3A_166 = tpu.vector_load_idx %arg8[%add3A_165, %gather3A_160] : memref<96x32xf32, #tpu.memory_space<vmem>>[vector<16xi32>, vector<16xi32>], vector<16xf32>,
      %add3A_167 = arith.addf %add3A_145, %gather3A_166 : vector<16xf32>
      %add3A_168 = arith.constant 64 : i32
      %add3A_169 = vector.broadcast %add3A_168 : i32 to vector<16xi32>
      %add3A_170 = arith.addi %gather3A_156, %add3A_169 : vector<16xi32>
      %gather3A_171 = tpu.vector_load_idx %arg8[%add3A_170, %gather3A_160] : memref<96x32xf32, #tpu.memory_space<vmem>>[vector<16xi32>, vector<16xi32>], vector<16xf32>,
      %add3A_172 = arith.addf %add3A_150, %gather3A_171 : vector<16xf32>
      %add3A_173 = arith.constant 2 : i32
      %add3A_174 = vector.broadcast %add3A_173 : i32 to vector<16xi32>
      %add3A_175 = arith.addi %add3A_153, %add3A_174 : vector<16xi32>
      %scan3A_176 = arith.constant 100 : i32
      tpu.vector_store_idx %arg9[%add3A_80, %broadcast_in_dim3A_6], %add3A_162 : memref<128x3xf32, #tpu.memory_space<vmem>>[vector<16xi32>, vector<16xi32>], vector<16xf32>,
      tpu.vector_store_idx %arg9[%add3A_80, %add3A_9], %add3A_167 : memref<128x3xf32, #tpu.memory_space<vmem>>[vector<16xi32>, vector<16xi32>], vector<16xf32>,
      tpu.vector_store_idx %arg9[%add3A_80, %add3A_12], %add3A_172 : memref<128x3xf32, #tpu.memory_space<vmem>>[vector<16xi32>, vector<16xi32>], vector<16xf32>,
    }
    %scan3A_45 = arith.constant 8 : i32
    %add3A_46 = arith.constant 128 : i32
    %add3A_47 = arith.addi %mul3A_2, %add3A_46 : i32
    "tpu.region"() ({
      %run_scoped3A = tpu.sem_alloc : memref<!tpu.dma_semaphore, #tpu.memory_space<semaphore_mem>>
      %dma_start3A_72 = arith.constant 0 : i32
      %dma_start3A_73 = tpu.memref_slice %arg4[%add3A_47, %dma_start3A_72] : memref<16384x3xf32, #tpu.memory_space<hbm>> -> memref<128x3xf32, #tpu.memory_space<hbm>>
      %dma_start3A_74 = arith.constant 0 : i32
      %dma_start3A_75 = tpu.memref_slice %arg4[%add3A_47, %dma_start3A_74] : memref<16384x3xf32, #tpu.memory_space<hbm>> -> memref<128x3xf32, #tpu.memory_space<hbm>>
      tpu.enqueue_dma source(%arg9 : memref<128x3xf32, #tpu.memory_space<vmem>>) target(%dma_start3A_75 : memref<128x3xf32, #tpu.memory_space<hbm>>) target_semaphore(%run_scoped3A : memref<!tpu.dma_semaphore, #tpu.memory_space<semaphore_mem>>)
      %dma_wait3A_76 = arith.constant 0 : i32
      %dma_wait3A_77 = tpu.memref_slice %arg4[%add3A_47, %dma_wait3A_76] : memref<16384x3xf32, #tpu.memory_space<hbm>> -> memref<128x3xf32, #tpu.memory_space<hbm>>
      %dma_wait3A_78 = arith.constant 0 : i32
      %dma_wait3A_79 = tpu.memref_slice %arg4[%add3A_47, %dma_wait3A_78] : memref<16384x3xf32, #tpu.memory_space<hbm>> -> memref<128x3xf32, #tpu.memory_space<hbm>>
      tpu.wait_dma2 semaphore(%run_scoped3A : memref<!tpu.dma_semaphore, #tpu.memory_space<semaphore_mem>>) src(%arg9 : memref<128x3xf32, #tpu.memory_space<vmem>>) dst(%dma_wait3A_79 : memref<128x3xf32, #tpu.memory_space<hbm>>)
      tpu.yield
    }) : () -> ()
    %add3A_48 = arith.constant 384 : i32
    %add3A_49 = arith.addi %mul3A_2, %add3A_48 : i32
    %mul3A_50 = arith.constant 200 : i32
    %mul3A_51 = arith.muli %add3A_49, %mul3A_50 : i32
    %dma_start3A_52 = tpu.memref_slice %arg2[%mul3A_51] : memref<3276800xi32, #tpu.memory_space<hbm>> -> memref<25600xi32, #tpu.memory_space<hbm>>
    %dma_start3A_53 = tpu.memref_slice %arg2[%mul3A_51] : memref<3276800xi32, #tpu.memory_space<hbm>> -> memref<25600xi32, #tpu.memory_space<hbm>>
    tpu.enqueue_dma source(%dma_start3A_53 : memref<25600xi32, #tpu.memory_space<hbm>>) target(%arg6 : memref<25600xi32, #tpu.memory_space<vmem>>) target_semaphore(%arg11 : memref<!tpu.dma_semaphore, #tpu.memory_space<semaphore_mem>>)
    %dma_wait3A_54 = tpu.memref_slice %arg2[%mul3A_36] : memref<3276800xi32, #tpu.memory_space<hbm>> -> memref<25600xi32, #tpu.memory_space<hbm>>
    %dma_wait3A_55 = tpu.memref_slice %arg2[%mul3A_36] : memref<3276800xi32, #tpu.memory_space<hbm>> -> memref<25600xi32, #tpu.memory_space<hbm>>
    tpu.wait_dma2 semaphore(%arg10 : memref<!tpu.dma_semaphore, #tpu.memory_space<semaphore_mem>>) src(%dma_wait3A_55 : memref<25600xi32, #tpu.memory_space<hbm>>) dst(%arg5 : memref<25600xi32, #tpu.memory_space<vmem>>)
    %scan3A_56 = arith.constant 0 : i32
    %scan3A_57 = arith.constant 8 : i32
    %scan3A_58 = arith.addi %scan3A_56, %scan3A_57 : i32
    %scan3A_59 = arith.constant 1 : i32
    scf.for %scan3A_72 = %scan3A_56 to %scan3A_58 step %scan3A_59  : i32 {
      %mul3A_73 = arith.constant 1 : i32
      %mul3A_74 = arith.muli %scan3A_72, %mul3A_73 : i32
      %add3A_75 = arith.constant 0 : i32
      %add3A_76 = arith.addi %add3A_75, %mul3A_74 : i32
      %mul3A_77 = arith.constant 16 : i32
      %mul3A_78 = arith.muli %add3A_76, %mul3A_77 : i32
      %add3A_79 = vector.broadcast %mul3A_78 : i32 to vector<16xi32>
      %add3A_80 = arith.addi %iota3A, %add3A_79 : vector<16xi32>
      %mul3A_81 = arith.constant 200 : i32
      %mul3A_82 = vector.broadcast %mul3A_81 : i32 to vector<16xi32>
      %mul3A_83 = arith.muli %add3A_80, %mul3A_82 : vector<16xi32>
      %scan3A_84 = arith.constant 0 : i32
      %scan3A_85 = arith.constant 96 : i32
      %scan3A_86 = arith.addi %scan3A_84, %scan3A_85 : i32
      %scan3A_87 = arith.constant 8 : i32
      %scan3A_88:4 = scf.for %scan3A_177 = %scan3A_84 to %scan3A_86 step %scan3A_87 iter_args(%scan3A_178 = %mul3A_83, %scan3A_179 = %broadcast_in_dim3A_14, %scan3A_180 = %broadcast_in_dim3A_14, %scan3A_181 = %broadcast_in_dim3A_14) -> (vector<16xi32>, vector<16xf32>, vector<16xf32>, vector<16xf32>)  : i32 {
        %gather3A_182 = tpu.vector_load_idx %arg5[%scan3A_178] : memref<25600xi32, #tpu.memory_space<vmem>>[vector<16xi32>], vector<16xi32>,
        %add3A_183 = arith.constant 1 : i32
        %add3A_184 = vector.broadcast %add3A_183 : i32 to vector<16xi32>
        %add3A_185 = arith.addi %scan3A_178, %add3A_184 : vector<16xi32>
        %gather3A_186 = tpu.vector_load_idx %arg5[%add3A_185] : memref<25600xi32, #tpu.memory_space<vmem>>[vector<16xi32>], vector<16xi32>,
        %gather3A_187 = tpu.vector_load_idx %arg8[%gather3A_182, %gather3A_186] : memref<96x32xf32, #tpu.memory_space<vmem>>[vector<16xi32>, vector<16xi32>], vector<16xf32>,
        %add3A_188 = arith.addf %scan3A_179, %gather3A_187 : vector<16xf32>
        %add3A_189 = arith.constant 32 : i32
        %add3A_190 = vector.broadcast %add3A_189 : i32 to vector<16xi32>
        %add3A_191 = arith.addi %gather3A_182, %add3A_190 : vector<16xi32>
        %gather3A_192 = tpu.vector_load_idx %arg8[%add3A_191, %gather3A_186] : memref<96x32xf32, #tpu.memory_space<vmem>>[vector<16xi32>, vector<16xi32>], vector<16xf32>,
        %add3A_193 = arith.addf %scan3A_180, %gather3A_192 : vector<16xf32>
        %add3A_194 = arith.constant 64 : i32
        %add3A_195 = vector.broadcast %add3A_194 : i32 to vector<16xi32>
        %add3A_196 = arith.addi %gather3A_182, %add3A_195 : vector<16xi32>
        %gather3A_197 = tpu.vector_load_idx %arg8[%add3A_196, %gather3A_186] : memref<96x32xf32, #tpu.memory_space<vmem>>[vector<16xi32>, vector<16xi32>], vector<16xf32>,
        %add3A_198 = arith.addf %scan3A_181, %gather3A_197 : vector<16xf32>
        %add3A_199 = arith.constant 2 : i32
        %add3A_200 = vector.broadcast %add3A_199 : i32 to vector<16xi32>
        %add3A_201 = arith.addi %scan3A_178, %add3A_200 : vector<16xi32>
        %scan3A_202 = arith.constant 1 : i32
        %scan3A_203 = arith.addi %scan3A_177, %scan3A_202 : i32
        %gather3A_204 = tpu.vector_load_idx %arg5[%add3A_201] : memref<25600xi32, #tpu.memory_space<vmem>>[vector<16xi32>], vector<16xi32>,
        %add3A_205 = arith.constant 1 : i32
        %add3A_206 = vector.broadcast %add3A_205 : i32 to vector<16xi32>
        %add3A_207 = arith.addi %add3A_201, %add3A_206 : vector<16xi32>
        %gather3A_208 = tpu.vector_load_idx %arg5[%add3A_207] : memref<25600xi32, #tpu.memory_space<vmem>>[vector<16xi32>], vector<16xi32>,
        %gather3A_209 = tpu.vector_load_idx %arg8[%gather3A_204, %gather3A_208] : memref<96x32xf32, #tpu.memory_space<vmem>>[vector<16xi32>, vector<16xi32>], vector<16xf32>,
        %add3A_210 = arith.addf %add3A_188, %gather3A_209 : vector<16xf32>
        %add3A_211 = arith.constant 32 : i32
        %add3A_212 = vector.broadcast %add3A_211 : i32 to vector<16xi32>
        %add3A_213 = arith.addi %gather3A_204, %add3A_212 : vector<16xi32>
        %gather3A_214 = tpu.vector_load_idx %arg8[%add3A_213, %gather3A_208] : memref<96x32xf32, #tpu.memory_space<vmem>>[vector<16xi32>, vector<16xi32>], vector<16xf32>,
        %add3A_215 = arith.addf %add3A_193, %gather3A_214 : vector<16xf32>
        %add3A_216 = arith.constant 64 : i32
        %add3A_217 = vector.broadcast %add3A_216 : i32 to vector<16xi32>
        %add3A_218 = arith.addi %gather3A_204, %add3A_217 : vector<16xi32>
        %gather3A_219 = tpu.vector_load_idx %arg8[%add3A_218, %gather3A_208] : memref<96x32xf32, #tpu.memory_space<vmem>>[vector<16xi32>, vector<16xi32>], vector<16xf32>,
        %add3A_220 = arith.addf %add3A_198, %gather3A_219 : vector<16xf32>
        %add3A_221 = arith.constant 2 : i32
        %add3A_222 = vector.broadcast %add3A_221 : i32 to vector<16xi32>
        %add3A_223 = arith.addi %add3A_201, %add3A_222 : vector<16xi32>
        %scan3A_224 = arith.constant 2 : i32
        %scan3A_225 = arith.addi %scan3A_177, %scan3A_224 : i32
        %gather3A_226 = tpu.vector_load_idx %arg5[%add3A_223] : memref<25600xi32, #tpu.memory_space<vmem>>[vector<16xi32>], vector<16xi32>,
        %add3A_227 = arith.constant 1 : i32
        %add3A_228 = vector.broadcast %add3A_227 : i32 to vector<16xi32>
        %add3A_229 = arith.addi %add3A_223, %add3A_228 : vector<16xi32>
        %gather3A_230 = tpu.vector_load_idx %arg5[%add3A_229] : memref<25600xi32, #tpu.memory_space<vmem>>[vector<16xi32>], vector<16xi32>,
        %gather3A_231 = tpu.vector_load_idx %arg8[%gather3A_226, %gather3A_230] : memref<96x32xf32, #tpu.memory_space<vmem>>[vector<16xi32>, vector<16xi32>], vector<16xf32>,
        %add3A_232 = arith.addf %add3A_210, %gather3A_231 : vector<16xf32>
        %add3A_233 = arith.constant 32 : i32
        %add3A_234 = vector.broadcast %add3A_233 : i32 to vector<16xi32>
        %add3A_235 = arith.addi %gather3A_226, %add3A_234 : vector<16xi32>
        %gather3A_236 = tpu.vector_load_idx %arg8[%add3A_235, %gather3A_230] : memref<96x32xf32, #tpu.memory_space<vmem>>[vector<16xi32>, vector<16xi32>], vector<16xf32>,
        %add3A_237 = arith.addf %add3A_215, %gather3A_236 : vector<16xf32>
        %add3A_238 = arith.constant 64 : i32
        %add3A_239 = vector.broadcast %add3A_238 : i32 to vector<16xi32>
        %add3A_240 = arith.addi %gather3A_226, %add3A_239 : vector<16xi32>
        %gather3A_241 = tpu.vector_load_idx %arg8[%add3A_240, %gather3A_230] : memref<96x32xf32, #tpu.memory_space<vmem>>[vector<16xi32>, vector<16xi32>], vector<16xf32>,
        %add3A_242 = arith.addf %add3A_220, %gather3A_241 : vector<16xf32>
        %add3A_243 = arith.constant 2 : i32
        %add3A_244 = vector.broadcast %add3A_243 : i32 to vector<16xi32>
        %add3A_245 = arith.addi %add3A_223, %add3A_244 : vector<16xi32>
        %scan3A_246 = arith.constant 3 : i32
        %scan3A_247 = arith.addi %scan3A_177, %scan3A_246 : i32
        %gather3A_248 = tpu.vector_load_idx %arg5[%add3A_245] : memref<25600xi32, #tpu.memory_space<vmem>>[vector<16xi32>], vector<16xi32>,
        %add3A_249 = arith.constant 1 : i32
        %add3A_250 = vector.broadcast %add3A_249 : i32 to vector<16xi32>
        %add3A_251 = arith.addi %add3A_245, %add3A_250 : vector<16xi32>
        %gather3A_252 = tpu.vector_load_idx %arg5[%add3A_251] : memref<25600xi32, #tpu.memory_space<vmem>>[vector<16xi32>], vector<16xi32>,
        %gather3A_253 = tpu.vector_load_idx %arg8[%gather3A_248, %gather3A_252] : memref<96x32xf32, #tpu.memory_space<vmem>>[vector<16xi32>, vector<16xi32>], vector<16xf32>,
        %add3A_254 = arith.addf %add3A_232, %gather3A_253 : vector<16xf32>
        %add3A_255 = arith.constant 32 : i32
        %add3A_256 = vector.broadcast %add3A_255 : i32 to vector<16xi32>
        %add3A_257 = arith.addi %gather3A_248, %add3A_256 : vector<16xi32>
        %gather3A_258 = tpu.vector_load_idx %arg8[%add3A_257, %gather3A_252] : memref<96x32xf32, #tpu.memory_space<vmem>>[vector<16xi32>, vector<16xi32>], vector<16xf32>,
        %add3A_259 = arith.addf %add3A_237, %gather3A_258 : vector<16xf32>
        %add3A_260 = arith.constant 64 : i32
        %add3A_261 = vector.broadcast %add3A_260 : i32 to vector<16xi32>
        %add3A_262 = arith.addi %gather3A_248, %add3A_261 : vector<16xi32>
        %gather3A_263 = tpu.vector_load_idx %arg8[%add3A_262, %gather3A_252] : memref<96x32xf32, #tpu.memory_space<vmem>>[vector<16xi32>, vector<16xi32>], vector<16xf32>,
        %add3A_264 = arith.addf %add3A_242, %gather3A_263 : vector<16xf32>
        %add3A_265 = arith.constant 2 : i32
        %add3A_266 = vector.broadcast %add3A_265 : i32 to vector<16xi32>
        %add3A_267 = arith.addi %add3A_245, %add3A_266 : vector<16xi32>
        %scan3A_268 = arith.constant 4 : i32
        %scan3A_269 = arith.addi %scan3A_177, %scan3A_268 : i32
        %gather3A_270 = tpu.vector_load_idx %arg5[%add3A_267] : memref<25600xi32, #tpu.memory_space<vmem>>[vector<16xi32>], vector<16xi32>,
        %add3A_271 = arith.constant 1 : i32
        %add3A_272 = vector.broadcast %add3A_271 : i32 to vector<16xi32>
        %add3A_273 = arith.addi %add3A_267, %add3A_272 : vector<16xi32>
        %gather3A_274 = tpu.vector_load_idx %arg5[%add3A_273] : memref<25600xi32, #tpu.memory_space<vmem>>[vector<16xi32>], vector<16xi32>,
        %gather3A_275 = tpu.vector_load_idx %arg8[%gather3A_270, %gather3A_274] : memref<96x32xf32, #tpu.memory_space<vmem>>[vector<16xi32>, vector<16xi32>], vector<16xf32>,
        %add3A_276 = arith.addf %add3A_254, %gather3A_275 : vector<16xf32>
        %add3A_277 = arith.constant 32 : i32
        %add3A_278 = vector.broadcast %add3A_277 : i32 to vector<16xi32>
        %add3A_279 = arith.addi %gather3A_270, %add3A_278 : vector<16xi32>
        %gather3A_280 = tpu.vector_load_idx %arg8[%add3A_279, %gather3A_274] : memref<96x32xf32, #tpu.memory_space<vmem>>[vector<16xi32>, vector<16xi32>], vector<16xf32>,
        %add3A_281 = arith.addf %add3A_259, %gather3A_280 : vector<16xf32>
        %add3A_282 = arith.constant 64 : i32
        %add3A_283 = vector.broadcast %add3A_282 : i32 to vector<16xi32>
        %add3A_284 = arith.addi %gather3A_270, %add3A_283 : vector<16xi32>
        %gather3A_285 = tpu.vector_load_idx %arg8[%add3A_284, %gather3A_274] : memref<96x32xf32, #tpu.memory_space<vmem>>[vector<16xi32>, vector<16xi32>], vector<16xf32>,
        %add3A_286 = arith.addf %add3A_264, %gather3A_285 : vector<16xf32>
        %add3A_287 = arith.constant 2 : i32
        %add3A_288 = vector.broadcast %add3A_287 : i32 to vector<16xi32>
        %add3A_289 = arith.addi %add3A_267, %add3A_288 : vector<16xi32>
        %scan3A_290 = arith.constant 5 : i32
        %scan3A_291 = arith.addi %scan3A_177, %scan3A_290 : i32
        %gather3A_292 = tpu.vector_load_idx %arg5[%add3A_289] : memref<25600xi32, #tpu.memory_space<vmem>>[vector<16xi32>], vector<16xi32>,
        %add3A_293 = arith.constant 1 : i32
        %add3A_294 = vector.broadcast %add3A_293 : i32 to vector<16xi32>
        %add3A_295 = arith.addi %add3A_289, %add3A_294 : vector<16xi32>
        %gather3A_296 = tpu.vector_load_idx %arg5[%add3A_295] : memref<25600xi32, #tpu.memory_space<vmem>>[vector<16xi32>], vector<16xi32>,
        %gather3A_297 = tpu.vector_load_idx %arg8[%gather3A_292, %gather3A_296] : memref<96x32xf32, #tpu.memory_space<vmem>>[vector<16xi32>, vector<16xi32>], vector<16xf32>,
        %add3A_298 = arith.addf %add3A_276, %gather3A_297 : vector<16xf32>
        %add3A_299 = arith.constant 32 : i32
        %add3A_300 = vector.broadcast %add3A_299 : i32 to vector<16xi32>
        %add3A_301 = arith.addi %gather3A_292, %add3A_300 : vector<16xi32>
        %gather3A_302 = tpu.vector_load_idx %arg8[%add3A_301, %gather3A_296] : memref<96x32xf32, #tpu.memory_space<vmem>>[vector<16xi32>, vector<16xi32>], vector<16xf32>,
        %add3A_303 = arith.addf %add3A_281, %gather3A_302 : vector<16xf32>
        %add3A_304 = arith.constant 64 : i32
        %add3A_305 = vector.broadcast %add3A_304 : i32 to vector<16xi32>
        %add3A_306 = arith.addi %gather3A_292, %add3A_305 : vector<16xi32>
        %gather3A_307 = tpu.vector_load_idx %arg8[%add3A_306, %gather3A_296] : memref<96x32xf32, #tpu.memory_space<vmem>>[vector<16xi32>, vector<16xi32>], vector<16xf32>,
        %add3A_308 = arith.addf %add3A_286, %gather3A_307 : vector<16xf32>
        %add3A_309 = arith.constant 2 : i32
        %add3A_310 = vector.broadcast %add3A_309 : i32 to vector<16xi32>
        %add3A_311 = arith.addi %add3A_289, %add3A_310 : vector<16xi32>
        %scan3A_312 = arith.constant 6 : i32
        %scan3A_313 = arith.addi %scan3A_177, %scan3A_312 : i32
        %gather3A_314 = tpu.vector_load_idx %arg5[%add3A_311] : memref<25600xi32, #tpu.memory_space<vmem>>[vector<16xi32>], vector<16xi32>,
        %add3A_315 = arith.constant 1 : i32
        %add3A_316 = vector.broadcast %add3A_315 : i32 to vector<16xi32>
        %add3A_317 = arith.addi %add3A_311, %add3A_316 : vector<16xi32>
        %gather3A_318 = tpu.vector_load_idx %arg5[%add3A_317] : memref<25600xi32, #tpu.memory_space<vmem>>[vector<16xi32>], vector<16xi32>,
        %gather3A_319 = tpu.vector_load_idx %arg8[%gather3A_314, %gather3A_318] : memref<96x32xf32, #tpu.memory_space<vmem>>[vector<16xi32>, vector<16xi32>], vector<16xf32>,
        %add3A_320 = arith.addf %add3A_298, %gather3A_319 : vector<16xf32>
        %add3A_321 = arith.constant 32 : i32
        %add3A_322 = vector.broadcast %add3A_321 : i32 to vector<16xi32>
        %add3A_323 = arith.addi %gather3A_314, %add3A_322 : vector<16xi32>
        %gather3A_324 = tpu.vector_load_idx %arg8[%add3A_323, %gather3A_318] : memref<96x32xf32, #tpu.memory_space<vmem>>[vector<16xi32>, vector<16xi32>], vector<16xf32>,
        %add3A_325 = arith.addf %add3A_303, %gather3A_324 : vector<16xf32>
        %add3A_326 = arith.constant 64 : i32
        %add3A_327 = vector.broadcast %add3A_326 : i32 to vector<16xi32>
        %add3A_328 = arith.addi %gather3A_314, %add3A_327 : vector<16xi32>
        %gather3A_329 = tpu.vector_load_idx %arg8[%add3A_328, %gather3A_318] : memref<96x32xf32, #tpu.memory_space<vmem>>[vector<16xi32>, vector<16xi32>], vector<16xf32>,
        %add3A_330 = arith.addf %add3A_308, %gather3A_329 : vector<16xf32>
        %add3A_331 = arith.constant 2 : i32
        %add3A_332 = vector.broadcast %add3A_331 : i32 to vector<16xi32>
        %add3A_333 = arith.addi %add3A_311, %add3A_332 : vector<16xi32>
        %scan3A_334 = arith.constant 7 : i32
        %scan3A_335 = arith.addi %scan3A_177, %scan3A_334 : i32
        %gather3A_336 = tpu.vector_load_idx %arg5[%add3A_333] : memref<25600xi32, #tpu.memory_space<vmem>>[vector<16xi32>], vector<16xi32>,
        %add3A_337 = arith.constant 1 : i32
        %add3A_338 = vector.broadcast %add3A_337 : i32 to vector<16xi32>
        %add3A_339 = arith.addi %add3A_333, %add3A_338 : vector<16xi32>
        %gather3A_340 = tpu.vector_load_idx %arg5[%add3A_339] : memref<25600xi32, #tpu.memory_space<vmem>>[vector<16xi32>], vector<16xi32>,
        %gather3A_341 = tpu.vector_load_idx %arg8[%gather3A_336, %gather3A_340] : memref<96x32xf32, #tpu.memory_space<vmem>>[vector<16xi32>, vector<16xi32>], vector<16xf32>,
        %add3A_342 = arith.addf %add3A_320, %gather3A_341 : vector<16xf32>
        %add3A_343 = arith.constant 32 : i32
        %add3A_344 = vector.broadcast %add3A_343 : i32 to vector<16xi32>
        %add3A_345 = arith.addi %gather3A_336, %add3A_344 : vector<16xi32>
        %gather3A_346 = tpu.vector_load_idx %arg8[%add3A_345, %gather3A_340] : memref<96x32xf32, #tpu.memory_space<vmem>>[vector<16xi32>, vector<16xi32>], vector<16xf32>,
        %add3A_347 = arith.addf %add3A_325, %gather3A_346 : vector<16xf32>
        %add3A_348 = arith.constant 64 : i32
        %add3A_349 = vector.broadcast %add3A_348 : i32 to vector<16xi32>
        %add3A_350 = arith.addi %gather3A_336, %add3A_349 : vector<16xi32>
        %gather3A_351 = tpu.vector_load_idx %arg8[%add3A_350, %gather3A_340] : memref<96x32xf32, #tpu.memory_space<vmem>>[vector<16xi32>, vector<16xi32>], vector<16xf32>,
        %add3A_352 = arith.addf %add3A_330, %gather3A_351 : vector<16xf32>
        %add3A_353 = arith.constant 2 : i32
        %add3A_354 = vector.broadcast %add3A_353 : i32 to vector<16xi32>
        %add3A_355 = arith.addi %add3A_333, %add3A_354 : vector<16xi32>
        scf.yield %add3A_355, %add3A_342, %add3A_347, %add3A_352 : vector<16xi32>, vector<16xf32>, vector<16xf32>, vector<16xf32>
      }
      %scan3A_89 = arith.constant 96 : i32
      %scan3A_90 = arith.addi %scan3A_84, %scan3A_89 : i32
      %gather3A = tpu.vector_load_idx %arg5[%scan3A_88#0] : memref<25600xi32, #tpu.memory_space<vmem>>[vector<16xi32>], vector<16xi32>,
      %add3A_91 = arith.constant 1 : i32
      %add3A_92 = vector.broadcast %add3A_91 : i32 to vector<16xi32>
      %add3A_93 = arith.addi %scan3A_88#0, %add3A_92 : vector<16xi32>
      %gather3A_94 = tpu.vector_load_idx %arg5[%add3A_93] : memref<25600xi32, #tpu.memory_space<vmem>>[vector<16xi32>], vector<16xi32>,
      %gather3A_95 = tpu.vector_load_idx %arg8[%gather3A, %gather3A_94] : memref<96x32xf32, #tpu.memory_space<vmem>>[vector<16xi32>, vector<16xi32>], vector<16xf32>,
      %add3A_96 = arith.addf %scan3A_88#1, %gather3A_95 : vector<16xf32>
      %add3A_97 = arith.constant 32 : i32
      %add3A_98 = vector.broadcast %add3A_97 : i32 to vector<16xi32>
      %add3A_99 = arith.addi %gather3A, %add3A_98 : vector<16xi32>
      %gather3A_100 = tpu.vector_load_idx %arg8[%add3A_99, %gather3A_94] : memref<96x32xf32, #tpu.memory_space<vmem>>[vector<16xi32>, vector<16xi32>], vector<16xf32>,
      %add3A_101 = arith.addf %scan3A_88#2, %gather3A_100 : vector<16xf32>
      %add3A_102 = arith.constant 64 : i32
      %add3A_103 = vector.broadcast %add3A_102 : i32 to vector<16xi32>
      %add3A_104 = arith.addi %gather3A, %add3A_103 : vector<16xi32>
      %gather3A_105 = tpu.vector_load_idx %arg8[%add3A_104, %gather3A_94] : memref<96x32xf32, #tpu.memory_space<vmem>>[vector<16xi32>, vector<16xi32>], vector<16xf32>,
      %add3A_106 = arith.addf %scan3A_88#3, %gather3A_105 : vector<16xf32>
      %add3A_107 = arith.constant 2 : i32
      %add3A_108 = vector.broadcast %add3A_107 : i32 to vector<16xi32>
      %add3A_109 = arith.addi %scan3A_88#0, %add3A_108 : vector<16xi32>
      %scan3A_110 = arith.constant 97 : i32
      %scan3A_111 = arith.addi %scan3A_84, %scan3A_110 : i32
      %gather3A_112 = tpu.vector_load_idx %arg5[%add3A_109] : memref<25600xi32, #tpu.memory_space<vmem>>[vector<16xi32>], vector<16xi32>,
      %add3A_113 = arith.constant 1 : i32
      %add3A_114 = vector.broadcast %add3A_113 : i32 to vector<16xi32>
      %add3A_115 = arith.addi %add3A_109, %add3A_114 : vector<16xi32>
      %gather3A_116 = tpu.vector_load_idx %arg5[%add3A_115] : memref<25600xi32, #tpu.memory_space<vmem>>[vector<16xi32>], vector<16xi32>,
      %gather3A_117 = tpu.vector_load_idx %arg8[%gather3A_112, %gather3A_116] : memref<96x32xf32, #tpu.memory_space<vmem>>[vector<16xi32>, vector<16xi32>], vector<16xf32>,
      %add3A_118 = arith.addf %add3A_96, %gather3A_117 : vector<16xf32>
      %add3A_119 = arith.constant 32 : i32
      %add3A_120 = vector.broadcast %add3A_119 : i32 to vector<16xi32>
      %add3A_121 = arith.addi %gather3A_112, %add3A_120 : vector<16xi32>
      %gather3A_122 = tpu.vector_load_idx %arg8[%add3A_121, %gather3A_116] : memref<96x32xf32, #tpu.memory_space<vmem>>[vector<16xi32>, vector<16xi32>], vector<16xf32>,
      %add3A_123 = arith.addf %add3A_101, %gather3A_122 : vector<16xf32>
      %add3A_124 = arith.constant 64 : i32
      %add3A_125 = vector.broadcast %add3A_124 : i32 to vector<16xi32>
      %add3A_126 = arith.addi %gather3A_112, %add3A_125 : vector<16xi32>
      %gather3A_127 = tpu.vector_load_idx %arg8[%add3A_126, %gather3A_116] : memref<96x32xf32, #tpu.memory_space<vmem>>[vector<16xi32>, vector<16xi32>], vector<16xf32>,
      %add3A_128 = arith.addf %add3A_106, %gather3A_127 : vector<16xf32>
      %add3A_129 = arith.constant 2 : i32
      %add3A_130 = vector.broadcast %add3A_129 : i32 to vector<16xi32>
      %add3A_131 = arith.addi %add3A_109, %add3A_130 : vector<16xi32>
      %scan3A_132 = arith.constant 98 : i32
      %scan3A_133 = arith.addi %scan3A_84, %scan3A_132 : i32
      %gather3A_134 = tpu.vector_load_idx %arg5[%add3A_131] : memref<25600xi32, #tpu.memory_space<vmem>>[vector<16xi32>], vector<16xi32>,
      %add3A_135 = arith.constant 1 : i32
      %add3A_136 = vector.broadcast %add3A_135 : i32 to vector<16xi32>
      %add3A_137 = arith.addi %add3A_131, %add3A_136 : vector<16xi32>
      %gather3A_138 = tpu.vector_load_idx %arg5[%add3A_137] : memref<25600xi32, #tpu.memory_space<vmem>>[vector<16xi32>], vector<16xi32>,
      %gather3A_139 = tpu.vector_load_idx %arg8[%gather3A_134, %gather3A_138] : memref<96x32xf32, #tpu.memory_space<vmem>>[vector<16xi32>, vector<16xi32>], vector<16xf32>,
      %add3A_140 = arith.addf %add3A_118, %gather3A_139 : vector<16xf32>
      %add3A_141 = arith.constant 32 : i32
      %add3A_142 = vector.broadcast %add3A_141 : i32 to vector<16xi32>
      %add3A_143 = arith.addi %gather3A_134, %add3A_142 : vector<16xi32>
      %gather3A_144 = tpu.vector_load_idx %arg8[%add3A_143, %gather3A_138] : memref<96x32xf32, #tpu.memory_space<vmem>>[vector<16xi32>, vector<16xi32>], vector<16xf32>,
      %add3A_145 = arith.addf %add3A_123, %gather3A_144 : vector<16xf32>
      %add3A_146 = arith.constant 64 : i32
      %add3A_147 = vector.broadcast %add3A_146 : i32 to vector<16xi32>
      %add3A_148 = arith.addi %gather3A_134, %add3A_147 : vector<16xi32>
      %gather3A_149 = tpu.vector_load_idx %arg8[%add3A_148, %gather3A_138] : memref<96x32xf32, #tpu.memory_space<vmem>>[vector<16xi32>, vector<16xi32>], vector<16xf32>,
      %add3A_150 = arith.addf %add3A_128, %gather3A_149 : vector<16xf32>
      %add3A_151 = arith.constant 2 : i32
      %add3A_152 = vector.broadcast %add3A_151 : i32 to vector<16xi32>
      %add3A_153 = arith.addi %add3A_131, %add3A_152 : vector<16xi32>
      %scan3A_154 = arith.constant 99 : i32
      %scan3A_155 = arith.addi %scan3A_84, %scan3A_154 : i32
      %gather3A_156 = tpu.vector_load_idx %arg5[%add3A_153] : memref<25600xi32, #tpu.memory_space<vmem>>[vector<16xi32>], vector<16xi32>,
      %add3A_157 = arith.constant 1 : i32
      %add3A_158 = vector.broadcast %add3A_157 : i32 to vector<16xi32>
      %add3A_159 = arith.addi %add3A_153, %add3A_158 : vector<16xi32>
      %gather3A_160 = tpu.vector_load_idx %arg5[%add3A_159] : memref<25600xi32, #tpu.memory_space<vmem>>[vector<16xi32>], vector<16xi32>,
      %gather3A_161 = tpu.vector_load_idx %arg8[%gather3A_156, %gather3A_160] : memref<96x32xf32, #tpu.memory_space<vmem>>[vector<16xi32>, vector<16xi32>], vector<16xf32>,
      %add3A_162 = arith.addf %add3A_140, %gather3A_161 : vector<16xf32>
      %add3A_163 = arith.constant 32 : i32
      %add3A_164 = vector.broadcast %add3A_163 : i32 to vector<16xi32>
      %add3A_165 = arith.addi %gather3A_156, %add3A_164 : vector<16xi32>
      %gather3A_166 = tpu.vector_load_idx %arg8[%add3A_165, %gather3A_160] : memref<96x32xf32, #tpu.memory_space<vmem>>[vector<16xi32>, vector<16xi32>], vector<16xf32>,
      %add3A_167 = arith.addf %add3A_145, %gather3A_166 : vector<16xf32>
      %add3A_168 = arith.constant 64 : i32
      %add3A_169 = vector.broadcast %add3A_168 : i32 to vector<16xi32>
      %add3A_170 = arith.addi %gather3A_156, %add3A_169 : vector<16xi32>
      %gather3A_171 = tpu.vector_load_idx %arg8[%add3A_170, %gather3A_160] : memref<96x32xf32, #tpu.memory_space<vmem>>[vector<16xi32>, vector<16xi32>], vector<16xf32>,
      %add3A_172 = arith.addf %add3A_150, %gather3A_171 : vector<16xf32>
      %add3A_173 = arith.constant 2 : i32
      %add3A_174 = vector.broadcast %add3A_173 : i32 to vector<16xi32>
      %add3A_175 = arith.addi %add3A_153, %add3A_174 : vector<16xi32>
      %scan3A_176 = arith.constant 100 : i32
      tpu.vector_store_idx %arg9[%add3A_80, %broadcast_in_dim3A_6], %add3A_162 : memref<128x3xf32, #tpu.memory_space<vmem>>[vector<16xi32>, vector<16xi32>], vector<16xf32>,
      tpu.vector_store_idx %arg9[%add3A_80, %add3A_9], %add3A_167 : memref<128x3xf32, #tpu.memory_space<vmem>>[vector<16xi32>, vector<16xi32>], vector<16xf32>,
      tpu.vector_store_idx %arg9[%add3A_80, %add3A_12], %add3A_172 : memref<128x3xf32, #tpu.memory_space<vmem>>[vector<16xi32>, vector<16xi32>], vector<16xf32>,
    }
    %scan3A_60 = arith.constant 8 : i32
    %add3A_61 = arith.constant 256 : i32
    %add3A_62 = arith.addi %mul3A_2, %add3A_61 : i32
    "tpu.region"() ({
      %run_scoped3A = tpu.sem_alloc : memref<!tpu.dma_semaphore, #tpu.memory_space<semaphore_mem>>
      %dma_start3A_72 = arith.constant 0 : i32
      %dma_start3A_73 = tpu.memref_slice %arg4[%add3A_62, %dma_start3A_72] : memref<16384x3xf32, #tpu.memory_space<hbm>> -> memref<128x3xf32, #tpu.memory_space<hbm>>
      %dma_start3A_74 = arith.constant 0 : i32
      %dma_start3A_75 = tpu.memref_slice %arg4[%add3A_62, %dma_start3A_74] : memref<16384x3xf32, #tpu.memory_space<hbm>> -> memref<128x3xf32, #tpu.memory_space<hbm>>
      tpu.enqueue_dma source(%arg9 : memref<128x3xf32, #tpu.memory_space<vmem>>) target(%dma_start3A_75 : memref<128x3xf32, #tpu.memory_space<hbm>>) target_semaphore(%run_scoped3A : memref<!tpu.dma_semaphore, #tpu.memory_space<semaphore_mem>>)
      %dma_wait3A_76 = arith.constant 0 : i32
      %dma_wait3A_77 = tpu.memref_slice %arg4[%add3A_62, %dma_wait3A_76] : memref<16384x3xf32, #tpu.memory_space<hbm>> -> memref<128x3xf32, #tpu.memory_space<hbm>>
      %dma_wait3A_78 = arith.constant 0 : i32
      %dma_wait3A_79 = tpu.memref_slice %arg4[%add3A_62, %dma_wait3A_78] : memref<16384x3xf32, #tpu.memory_space<hbm>> -> memref<128x3xf32, #tpu.memory_space<hbm>>
      tpu.wait_dma2 semaphore(%run_scoped3A : memref<!tpu.dma_semaphore, #tpu.memory_space<semaphore_mem>>) src(%arg9 : memref<128x3xf32, #tpu.memory_space<vmem>>) dst(%dma_wait3A_79 : memref<128x3xf32, #tpu.memory_space<hbm>>)
      tpu.yield
    }) : () -> ()
    %dma_wait3A_63 = tpu.memref_slice %arg2[%mul3A_51] : memref<3276800xi32, #tpu.memory_space<hbm>> -> memref<25600xi32, #tpu.memory_space<hbm>>
    %dma_wait3A_64 = tpu.memref_slice %arg2[%mul3A_51] : memref<3276800xi32, #tpu.memory_space<hbm>> -> memref<25600xi32, #tpu.memory_space<hbm>>
    tpu.wait_dma2 semaphore(%arg11 : memref<!tpu.dma_semaphore, #tpu.memory_space<semaphore_mem>>) src(%dma_wait3A_64 : memref<25600xi32, #tpu.memory_space<hbm>>) dst(%arg6 : memref<25600xi32, #tpu.memory_space<vmem>>)
    %scan3A_65 = arith.constant 0 : i32
    %scan3A_66 = arith.constant 8 : i32
    %scan3A_67 = arith.addi %scan3A_65, %scan3A_66 : i32
    %scan3A_68 = arith.constant 1 : i32
    scf.for %scan3A_72 = %scan3A_65 to %scan3A_67 step %scan3A_68  : i32 {
      %mul3A_73 = arith.constant 1 : i32
      %mul3A_74 = arith.muli %scan3A_72, %mul3A_73 : i32
      %add3A_75 = arith.constant 0 : i32
      %add3A_76 = arith.addi %add3A_75, %mul3A_74 : i32
      %mul3A_77 = arith.constant 16 : i32
      %mul3A_78 = arith.muli %add3A_76, %mul3A_77 : i32
      %add3A_79 = vector.broadcast %mul3A_78 : i32 to vector<16xi32>
      %add3A_80 = arith.addi %iota3A, %add3A_79 : vector<16xi32>
      %mul3A_81 = arith.constant 200 : i32
      %mul3A_82 = vector.broadcast %mul3A_81 : i32 to vector<16xi32>
      %mul3A_83 = arith.muli %add3A_80, %mul3A_82 : vector<16xi32>
      %scan3A_84 = arith.constant 0 : i32
      %scan3A_85 = arith.constant 96 : i32
      %scan3A_86 = arith.addi %scan3A_84, %scan3A_85 : i32
      %scan3A_87 = arith.constant 8 : i32
      %scan3A_88:4 = scf.for %scan3A_177 = %scan3A_84 to %scan3A_86 step %scan3A_87 iter_args(%scan3A_178 = %mul3A_83, %scan3A_179 = %broadcast_in_dim3A_14, %scan3A_180 = %broadcast_in_dim3A_14, %scan3A_181 = %broadcast_in_dim3A_14) -> (vector<16xi32>, vector<16xf32>, vector<16xf32>, vector<16xf32>)  : i32 {
        %gather3A_182 = tpu.vector_load_idx %arg6[%scan3A_178] : memref<25600xi32, #tpu.memory_space<vmem>>[vector<16xi32>], vector<16xi32>,
        %add3A_183 = arith.constant 1 : i32
        %add3A_184 = vector.broadcast %add3A_183 : i32 to vector<16xi32>
        %add3A_185 = arith.addi %scan3A_178, %add3A_184 : vector<16xi32>
        %gather3A_186 = tpu.vector_load_idx %arg6[%add3A_185] : memref<25600xi32, #tpu.memory_space<vmem>>[vector<16xi32>], vector<16xi32>,
        %gather3A_187 = tpu.vector_load_idx %arg8[%gather3A_182, %gather3A_186] : memref<96x32xf32, #tpu.memory_space<vmem>>[vector<16xi32>, vector<16xi32>], vector<16xf32>,
        %add3A_188 = arith.addf %scan3A_179, %gather3A_187 : vector<16xf32>
        %add3A_189 = arith.constant 32 : i32
        %add3A_190 = vector.broadcast %add3A_189 : i32 to vector<16xi32>
        %add3A_191 = arith.addi %gather3A_182, %add3A_190 : vector<16xi32>
        %gather3A_192 = tpu.vector_load_idx %arg8[%add3A_191, %gather3A_186] : memref<96x32xf32, #tpu.memory_space<vmem>>[vector<16xi32>, vector<16xi32>], vector<16xf32>,
        %add3A_193 = arith.addf %scan3A_180, %gather3A_192 : vector<16xf32>
        %add3A_194 = arith.constant 64 : i32
        %add3A_195 = vector.broadcast %add3A_194 : i32 to vector<16xi32>
        %add3A_196 = arith.addi %gather3A_182, %add3A_195 : vector<16xi32>
        %gather3A_197 = tpu.vector_load_idx %arg8[%add3A_196, %gather3A_186] : memref<96x32xf32, #tpu.memory_space<vmem>>[vector<16xi32>, vector<16xi32>], vector<16xf32>,
        %add3A_198 = arith.addf %scan3A_181, %gather3A_197 : vector<16xf32>
        %add3A_199 = arith.constant 2 : i32
        %add3A_200 = vector.broadcast %add3A_199 : i32 to vector<16xi32>
        %add3A_201 = arith.addi %scan3A_178, %add3A_200 : vector<16xi32>
        %scan3A_202 = arith.constant 1 : i32
        %scan3A_203 = arith.addi %scan3A_177, %scan3A_202 : i32
        %gather3A_204 = tpu.vector_load_idx %arg6[%add3A_201] : memref<25600xi32, #tpu.memory_space<vmem>>[vector<16xi32>], vector<16xi32>,
        %add3A_205 = arith.constant 1 : i32
        %add3A_206 = vector.broadcast %add3A_205 : i32 to vector<16xi32>
        %add3A_207 = arith.addi %add3A_201, %add3A_206 : vector<16xi32>
        %gather3A_208 = tpu.vector_load_idx %arg6[%add3A_207] : memref<25600xi32, #tpu.memory_space<vmem>>[vector<16xi32>], vector<16xi32>,
        %gather3A_209 = tpu.vector_load_idx %arg8[%gather3A_204, %gather3A_208] : memref<96x32xf32, #tpu.memory_space<vmem>>[vector<16xi32>, vector<16xi32>], vector<16xf32>,
        %add3A_210 = arith.addf %add3A_188, %gather3A_209 : vector<16xf32>
        %add3A_211 = arith.constant 32 : i32
        %add3A_212 = vector.broadcast %add3A_211 : i32 to vector<16xi32>
        %add3A_213 = arith.addi %gather3A_204, %add3A_212 : vector<16xi32>
        %gather3A_214 = tpu.vector_load_idx %arg8[%add3A_213, %gather3A_208] : memref<96x32xf32, #tpu.memory_space<vmem>>[vector<16xi32>, vector<16xi32>], vector<16xf32>,
        %add3A_215 = arith.addf %add3A_193, %gather3A_214 : vector<16xf32>
        %add3A_216 = arith.constant 64 : i32
        %add3A_217 = vector.broadcast %add3A_216 : i32 to vector<16xi32>
        %add3A_218 = arith.addi %gather3A_204, %add3A_217 : vector<16xi32>
        %gather3A_219 = tpu.vector_load_idx %arg8[%add3A_218, %gather3A_208] : memref<96x32xf32, #tpu.memory_space<vmem>>[vector<16xi32>, vector<16xi32>], vector<16xf32>,
        %add3A_220 = arith.addf %add3A_198, %gather3A_219 : vector<16xf32>
        %add3A_221 = arith.constant 2 : i32
        %add3A_222 = vector.broadcast %add3A_221 : i32 to vector<16xi32>
        %add3A_223 = arith.addi %add3A_201, %add3A_222 : vector<16xi32>
        %scan3A_224 = arith.constant 2 : i32
        %scan3A_225 = arith.addi %scan3A_177, %scan3A_224 : i32
        %gather3A_226 = tpu.vector_load_idx %arg6[%add3A_223] : memref<25600xi32, #tpu.memory_space<vmem>>[vector<16xi32>], vector<16xi32>,
        %add3A_227 = arith.constant 1 : i32
        %add3A_228 = vector.broadcast %add3A_227 : i32 to vector<16xi32>
        %add3A_229 = arith.addi %add3A_223, %add3A_228 : vector<16xi32>
        %gather3A_230 = tpu.vector_load_idx %arg6[%add3A_229] : memref<25600xi32, #tpu.memory_space<vmem>>[vector<16xi32>], vector<16xi32>,
        %gather3A_231 = tpu.vector_load_idx %arg8[%gather3A_226, %gather3A_230] : memref<96x32xf32, #tpu.memory_space<vmem>>[vector<16xi32>, vector<16xi32>], vector<16xf32>,
        %add3A_232 = arith.addf %add3A_210, %gather3A_231 : vector<16xf32>
        %add3A_233 = arith.constant 32 : i32
        %add3A_234 = vector.broadcast %add3A_233 : i32 to vector<16xi32>
        %add3A_235 = arith.addi %gather3A_226, %add3A_234 : vector<16xi32>
        %gather3A_236 = tpu.vector_load_idx %arg8[%add3A_235, %gather3A_230] : memref<96x32xf32, #tpu.memory_space<vmem>>[vector<16xi32>, vector<16xi32>], vector<16xf32>,
        %add3A_237 = arith.addf %add3A_215, %gather3A_236 : vector<16xf32>
        %add3A_238 = arith.constant 64 : i32
        %add3A_239 = vector.broadcast %add3A_238 : i32 to vector<16xi32>
        %add3A_240 = arith.addi %gather3A_226, %add3A_239 : vector<16xi32>
        %gather3A_241 = tpu.vector_load_idx %arg8[%add3A_240, %gather3A_230] : memref<96x32xf32, #tpu.memory_space<vmem>>[vector<16xi32>, vector<16xi32>], vector<16xf32>,
        %add3A_242 = arith.addf %add3A_220, %gather3A_241 : vector<16xf32>
        %add3A_243 = arith.constant 2 : i32
        %add3A_244 = vector.broadcast %add3A_243 : i32 to vector<16xi32>
        %add3A_245 = arith.addi %add3A_223, %add3A_244 : vector<16xi32>
        %scan3A_246 = arith.constant 3 : i32
        %scan3A_247 = arith.addi %scan3A_177, %scan3A_246 : i32
        %gather3A_248 = tpu.vector_load_idx %arg6[%add3A_245] : memref<25600xi32, #tpu.memory_space<vmem>>[vector<16xi32>], vector<16xi32>,
        %add3A_249 = arith.constant 1 : i32
        %add3A_250 = vector.broadcast %add3A_249 : i32 to vector<16xi32>
        %add3A_251 = arith.addi %add3A_245, %add3A_250 : vector<16xi32>
        %gather3A_252 = tpu.vector_load_idx %arg6[%add3A_251] : memref<25600xi32, #tpu.memory_space<vmem>>[vector<16xi32>], vector<16xi32>,
        %gather3A_253 = tpu.vector_load_idx %arg8[%gather3A_248, %gather3A_252] : memref<96x32xf32, #tpu.memory_space<vmem>>[vector<16xi32>, vector<16xi32>], vector<16xf32>,
        %add3A_254 = arith.addf %add3A_232, %gather3A_253 : vector<16xf32>
        %add3A_255 = arith.constant 32 : i32
        %add3A_256 = vector.broadcast %add3A_255 : i32 to vector<16xi32>
        %add3A_257 = arith.addi %gather3A_248, %add3A_256 : vector<16xi32>
        %gather3A_258 = tpu.vector_load_idx %arg8[%add3A_257, %gather3A_252] : memref<96x32xf32, #tpu.memory_space<vmem>>[vector<16xi32>, vector<16xi32>], vector<16xf32>,
        %add3A_259 = arith.addf %add3A_237, %gather3A_258 : vector<16xf32>
        %add3A_260 = arith.constant 64 : i32
        %add3A_261 = vector.broadcast %add3A_260 : i32 to vector<16xi32>
        %add3A_262 = arith.addi %gather3A_248, %add3A_261 : vector<16xi32>
        %gather3A_263 = tpu.vector_load_idx %arg8[%add3A_262, %gather3A_252] : memref<96x32xf32, #tpu.memory_space<vmem>>[vector<16xi32>, vector<16xi32>], vector<16xf32>,
        %add3A_264 = arith.addf %add3A_242, %gather3A_263 : vector<16xf32>
        %add3A_265 = arith.constant 2 : i32
        %add3A_266 = vector.broadcast %add3A_265 : i32 to vector<16xi32>
        %add3A_267 = arith.addi %add3A_245, %add3A_266 : vector<16xi32>
        %scan3A_268 = arith.constant 4 : i32
        %scan3A_269 = arith.addi %scan3A_177, %scan3A_268 : i32
        %gather3A_270 = tpu.vector_load_idx %arg6[%add3A_267] : memref<25600xi32, #tpu.memory_space<vmem>>[vector<16xi32>], vector<16xi32>,
        %add3A_271 = arith.constant 1 : i32
        %add3A_272 = vector.broadcast %add3A_271 : i32 to vector<16xi32>
        %add3A_273 = arith.addi %add3A_267, %add3A_272 : vector<16xi32>
        %gather3A_274 = tpu.vector_load_idx %arg6[%add3A_273] : memref<25600xi32, #tpu.memory_space<vmem>>[vector<16xi32>], vector<16xi32>,
        %gather3A_275 = tpu.vector_load_idx %arg8[%gather3A_270, %gather3A_274] : memref<96x32xf32, #tpu.memory_space<vmem>>[vector<16xi32>, vector<16xi32>], vector<16xf32>,
        %add3A_276 = arith.addf %add3A_254, %gather3A_275 : vector<16xf32>
        %add3A_277 = arith.constant 32 : i32
        %add3A_278 = vector.broadcast %add3A_277 : i32 to vector<16xi32>
        %add3A_279 = arith.addi %gather3A_270, %add3A_278 : vector<16xi32>
        %gather3A_280 = tpu.vector_load_idx %arg8[%add3A_279, %gather3A_274] : memref<96x32xf32, #tpu.memory_space<vmem>>[vector<16xi32>, vector<16xi32>], vector<16xf32>,
        %add3A_281 = arith.addf %add3A_259, %gather3A_280 : vector<16xf32>
        %add3A_282 = arith.constant 64 : i32
        %add3A_283 = vector.broadcast %add3A_282 : i32 to vector<16xi32>
        %add3A_284 = arith.addi %gather3A_270, %add3A_283 : vector<16xi32>
        %gather3A_285 = tpu.vector_load_idx %arg8[%add3A_284, %gather3A_274] : memref<96x32xf32, #tpu.memory_space<vmem>>[vector<16xi32>, vector<16xi32>], vector<16xf32>,
        %add3A_286 = arith.addf %add3A_264, %gather3A_285 : vector<16xf32>
        %add3A_287 = arith.constant 2 : i32
        %add3A_288 = vector.broadcast %add3A_287 : i32 to vector<16xi32>
        %add3A_289 = arith.addi %add3A_267, %add3A_288 : vector<16xi32>
        %scan3A_290 = arith.constant 5 : i32
        %scan3A_291 = arith.addi %scan3A_177, %scan3A_290 : i32
        %gather3A_292 = tpu.vector_load_idx %arg6[%add3A_289] : memref<25600xi32, #tpu.memory_space<vmem>>[vector<16xi32>], vector<16xi32>,
        %add3A_293 = arith.constant 1 : i32
        %add3A_294 = vector.broadcast %add3A_293 : i32 to vector<16xi32>
        %add3A_295 = arith.addi %add3A_289, %add3A_294 : vector<16xi32>
        %gather3A_296 = tpu.vector_load_idx %arg6[%add3A_295] : memref<25600xi32, #tpu.memory_space<vmem>>[vector<16xi32>], vector<16xi32>,
        %gather3A_297 = tpu.vector_load_idx %arg8[%gather3A_292, %gather3A_296] : memref<96x32xf32, #tpu.memory_space<vmem>>[vector<16xi32>, vector<16xi32>], vector<16xf32>,
        %add3A_298 = arith.addf %add3A_276, %gather3A_297 : vector<16xf32>
        %add3A_299 = arith.constant 32 : i32
        %add3A_300 = vector.broadcast %add3A_299 : i32 to vector<16xi32>
        %add3A_301 = arith.addi %gather3A_292, %add3A_300 : vector<16xi32>
        %gather3A_302 = tpu.vector_load_idx %arg8[%add3A_301, %gather3A_296] : memref<96x32xf32, #tpu.memory_space<vmem>>[vector<16xi32>, vector<16xi32>], vector<16xf32>,
        %add3A_303 = arith.addf %add3A_281, %gather3A_302 : vector<16xf32>
        %add3A_304 = arith.constant 64 : i32
        %add3A_305 = vector.broadcast %add3A_304 : i32 to vector<16xi32>
        %add3A_306 = arith.addi %gather3A_292, %add3A_305 : vector<16xi32>
        %gather3A_307 = tpu.vector_load_idx %arg8[%add3A_306, %gather3A_296] : memref<96x32xf32, #tpu.memory_space<vmem>>[vector<16xi32>, vector<16xi32>], vector<16xf32>,
        %add3A_308 = arith.addf %add3A_286, %gather3A_307 : vector<16xf32>
        %add3A_309 = arith.constant 2 : i32
        %add3A_310 = vector.broadcast %add3A_309 : i32 to vector<16xi32>
        %add3A_311 = arith.addi %add3A_289, %add3A_310 : vector<16xi32>
        %scan3A_312 = arith.constant 6 : i32
        %scan3A_313 = arith.addi %scan3A_177, %scan3A_312 : i32
        %gather3A_314 = tpu.vector_load_idx %arg6[%add3A_311] : memref<25600xi32, #tpu.memory_space<vmem>>[vector<16xi32>], vector<16xi32>,
        %add3A_315 = arith.constant 1 : i32
        %add3A_316 = vector.broadcast %add3A_315 : i32 to vector<16xi32>
        %add3A_317 = arith.addi %add3A_311, %add3A_316 : vector<16xi32>
        %gather3A_318 = tpu.vector_load_idx %arg6[%add3A_317] : memref<25600xi32, #tpu.memory_space<vmem>>[vector<16xi32>], vector<16xi32>,
        %gather3A_319 = tpu.vector_load_idx %arg8[%gather3A_314, %gather3A_318] : memref<96x32xf32, #tpu.memory_space<vmem>>[vector<16xi32>, vector<16xi32>], vector<16xf32>,
        %add3A_320 = arith.addf %add3A_298, %gather3A_319 : vector<16xf32>
        %add3A_321 = arith.constant 32 : i32
        %add3A_322 = vector.broadcast %add3A_321 : i32 to vector<16xi32>
        %add3A_323 = arith.addi %gather3A_314, %add3A_322 : vector<16xi32>
        %gather3A_324 = tpu.vector_load_idx %arg8[%add3A_323, %gather3A_318] : memref<96x32xf32, #tpu.memory_space<vmem>>[vector<16xi32>, vector<16xi32>], vector<16xf32>,
        %add3A_325 = arith.addf %add3A_303, %gather3A_324 : vector<16xf32>
        %add3A_326 = arith.constant 64 : i32
        %add3A_327 = vector.broadcast %add3A_326 : i32 to vector<16xi32>
        %add3A_328 = arith.addi %gather3A_314, %add3A_327 : vector<16xi32>
        %gather3A_329 = tpu.vector_load_idx %arg8[%add3A_328, %gather3A_318] : memref<96x32xf32, #tpu.memory_space<vmem>>[vector<16xi32>, vector<16xi32>], vector<16xf32>,
        %add3A_330 = arith.addf %add3A_308, %gather3A_329 : vector<16xf32>
        %add3A_331 = arith.constant 2 : i32
        %add3A_332 = vector.broadcast %add3A_331 : i32 to vector<16xi32>
        %add3A_333 = arith.addi %add3A_311, %add3A_332 : vector<16xi32>
        %scan3A_334 = arith.constant 7 : i32
        %scan3A_335 = arith.addi %scan3A_177, %scan3A_334 : i32
        %gather3A_336 = tpu.vector_load_idx %arg6[%add3A_333] : memref<25600xi32, #tpu.memory_space<vmem>>[vector<16xi32>], vector<16xi32>,
        %add3A_337 = arith.constant 1 : i32
        %add3A_338 = vector.broadcast %add3A_337 : i32 to vector<16xi32>
        %add3A_339 = arith.addi %add3A_333, %add3A_338 : vector<16xi32>
        %gather3A_340 = tpu.vector_load_idx %arg6[%add3A_339] : memref<25600xi32, #tpu.memory_space<vmem>>[vector<16xi32>], vector<16xi32>,
        %gather3A_341 = tpu.vector_load_idx %arg8[%gather3A_336, %gather3A_340] : memref<96x32xf32, #tpu.memory_space<vmem>>[vector<16xi32>, vector<16xi32>], vector<16xf32>,
        %add3A_342 = arith.addf %add3A_320, %gather3A_341 : vector<16xf32>
        %add3A_343 = arith.constant 32 : i32
        %add3A_344 = vector.broadcast %add3A_343 : i32 to vector<16xi32>
        %add3A_345 = arith.addi %gather3A_336, %add3A_344 : vector<16xi32>
        %gather3A_346 = tpu.vector_load_idx %arg8[%add3A_345, %gather3A_340] : memref<96x32xf32, #tpu.memory_space<vmem>>[vector<16xi32>, vector<16xi32>], vector<16xf32>,
        %add3A_347 = arith.addf %add3A_325, %gather3A_346 : vector<16xf32>
        %add3A_348 = arith.constant 64 : i32
        %add3A_349 = vector.broadcast %add3A_348 : i32 to vector<16xi32>
        %add3A_350 = arith.addi %gather3A_336, %add3A_349 : vector<16xi32>
        %gather3A_351 = tpu.vector_load_idx %arg8[%add3A_350, %gather3A_340] : memref<96x32xf32, #tpu.memory_space<vmem>>[vector<16xi32>, vector<16xi32>], vector<16xf32>,
        %add3A_352 = arith.addf %add3A_330, %gather3A_351 : vector<16xf32>
        %add3A_353 = arith.constant 2 : i32
        %add3A_354 = vector.broadcast %add3A_353 : i32 to vector<16xi32>
        %add3A_355 = arith.addi %add3A_333, %add3A_354 : vector<16xi32>
        scf.yield %add3A_355, %add3A_342, %add3A_347, %add3A_352 : vector<16xi32>, vector<16xf32>, vector<16xf32>, vector<16xf32>
      }
      %scan3A_89 = arith.constant 96 : i32
      %scan3A_90 = arith.addi %scan3A_84, %scan3A_89 : i32
      %gather3A = tpu.vector_load_idx %arg6[%scan3A_88#0] : memref<25600xi32, #tpu.memory_space<vmem>>[vector<16xi32>], vector<16xi32>,
      %add3A_91 = arith.constant 1 : i32
      %add3A_92 = vector.broadcast %add3A_91 : i32 to vector<16xi32>
      %add3A_93 = arith.addi %scan3A_88#0, %add3A_92 : vector<16xi32>
      %gather3A_94 = tpu.vector_load_idx %arg6[%add3A_93] : memref<25600xi32, #tpu.memory_space<vmem>>[vector<16xi32>], vector<16xi32>,
      %gather3A_95 = tpu.vector_load_idx %arg8[%gather3A, %gather3A_94] : memref<96x32xf32, #tpu.memory_space<vmem>>[vector<16xi32>, vector<16xi32>], vector<16xf32>,
      %add3A_96 = arith.addf %scan3A_88#1, %gather3A_95 : vector<16xf32>
      %add3A_97 = arith.constant 32 : i32
      %add3A_98 = vector.broadcast %add3A_97 : i32 to vector<16xi32>
      %add3A_99 = arith.addi %gather3A, %add3A_98 : vector<16xi32>
      %gather3A_100 = tpu.vector_load_idx %arg8[%add3A_99, %gather3A_94] : memref<96x32xf32, #tpu.memory_space<vmem>>[vector<16xi32>, vector<16xi32>], vector<16xf32>,
      %add3A_101 = arith.addf %scan3A_88#2, %gather3A_100 : vector<16xf32>
      %add3A_102 = arith.constant 64 : i32
      %add3A_103 = vector.broadcast %add3A_102 : i32 to vector<16xi32>
      %add3A_104 = arith.addi %gather3A, %add3A_103 : vector<16xi32>
      %gather3A_105 = tpu.vector_load_idx %arg8[%add3A_104, %gather3A_94] : memref<96x32xf32, #tpu.memory_space<vmem>>[vector<16xi32>, vector<16xi32>], vector<16xf32>,
      %add3A_106 = arith.addf %scan3A_88#3, %gather3A_105 : vector<16xf32>
      %add3A_107 = arith.constant 2 : i32
      %add3A_108 = vector.broadcast %add3A_107 : i32 to vector<16xi32>
      %add3A_109 = arith.addi %scan3A_88#0, %add3A_108 : vector<16xi32>
      %scan3A_110 = arith.constant 97 : i32
      %scan3A_111 = arith.addi %scan3A_84, %scan3A_110 : i32
      %gather3A_112 = tpu.vector_load_idx %arg6[%add3A_109] : memref<25600xi32, #tpu.memory_space<vmem>>[vector<16xi32>], vector<16xi32>,
      %add3A_113 = arith.constant 1 : i32
      %add3A_114 = vector.broadcast %add3A_113 : i32 to vector<16xi32>
      %add3A_115 = arith.addi %add3A_109, %add3A_114 : vector<16xi32>
      %gather3A_116 = tpu.vector_load_idx %arg6[%add3A_115] : memref<25600xi32, #tpu.memory_space<vmem>>[vector<16xi32>], vector<16xi32>,
      %gather3A_117 = tpu.vector_load_idx %arg8[%gather3A_112, %gather3A_116] : memref<96x32xf32, #tpu.memory_space<vmem>>[vector<16xi32>, vector<16xi32>], vector<16xf32>,
      %add3A_118 = arith.addf %add3A_96, %gather3A_117 : vector<16xf32>
      %add3A_119 = arith.constant 32 : i32
      %add3A_120 = vector.broadcast %add3A_119 : i32 to vector<16xi32>
      %add3A_121 = arith.addi %gather3A_112, %add3A_120 : vector<16xi32>
      %gather3A_122 = tpu.vector_load_idx %arg8[%add3A_121, %gather3A_116] : memref<96x32xf32, #tpu.memory_space<vmem>>[vector<16xi32>, vector<16xi32>], vector<16xf32>,
      %add3A_123 = arith.addf %add3A_101, %gather3A_122 : vector<16xf32>
      %add3A_124 = arith.constant 64 : i32
      %add3A_125 = vector.broadcast %add3A_124 : i32 to vector<16xi32>
      %add3A_126 = arith.addi %gather3A_112, %add3A_125 : vector<16xi32>
      %gather3A_127 = tpu.vector_load_idx %arg8[%add3A_126, %gather3A_116] : memref<96x32xf32, #tpu.memory_space<vmem>>[vector<16xi32>, vector<16xi32>], vector<16xf32>,
      %add3A_128 = arith.addf %add3A_106, %gather3A_127 : vector<16xf32>
      %add3A_129 = arith.constant 2 : i32
      %add3A_130 = vector.broadcast %add3A_129 : i32 to vector<16xi32>
      %add3A_131 = arith.addi %add3A_109, %add3A_130 : vector<16xi32>
      %scan3A_132 = arith.constant 98 : i32
      %scan3A_133 = arith.addi %scan3A_84, %scan3A_132 : i32
      %gather3A_134 = tpu.vector_load_idx %arg6[%add3A_131] : memref<25600xi32, #tpu.memory_space<vmem>>[vector<16xi32>], vector<16xi32>,
      %add3A_135 = arith.constant 1 : i32
      %add3A_136 = vector.broadcast %add3A_135 : i32 to vector<16xi32>
      %add3A_137 = arith.addi %add3A_131, %add3A_136 : vector<16xi32>
      %gather3A_138 = tpu.vector_load_idx %arg6[%add3A_137] : memref<25600xi32, #tpu.memory_space<vmem>>[vector<16xi32>], vector<16xi32>,
      %gather3A_139 = tpu.vector_load_idx %arg8[%gather3A_134, %gather3A_138] : memref<96x32xf32, #tpu.memory_space<vmem>>[vector<16xi32>, vector<16xi32>], vector<16xf32>,
      %add3A_140 = arith.addf %add3A_118, %gather3A_139 : vector<16xf32>
      %add3A_141 = arith.constant 32 : i32
      %add3A_142 = vector.broadcast %add3A_141 : i32 to vector<16xi32>
      %add3A_143 = arith.addi %gather3A_134, %add3A_142 : vector<16xi32>
      %gather3A_144 = tpu.vector_load_idx %arg8[%add3A_143, %gather3A_138] : memref<96x32xf32, #tpu.memory_space<vmem>>[vector<16xi32>, vector<16xi32>], vector<16xf32>,
      %add3A_145 = arith.addf %add3A_123, %gather3A_144 : vector<16xf32>
      %add3A_146 = arith.constant 64 : i32
      %add3A_147 = vector.broadcast %add3A_146 : i32 to vector<16xi32>
      %add3A_148 = arith.addi %gather3A_134, %add3A_147 : vector<16xi32>
      %gather3A_149 = tpu.vector_load_idx %arg8[%add3A_148, %gather3A_138] : memref<96x32xf32, #tpu.memory_space<vmem>>[vector<16xi32>, vector<16xi32>], vector<16xf32>,
      %add3A_150 = arith.addf %add3A_128, %gather3A_149 : vector<16xf32>
      %add3A_151 = arith.constant 2 : i32
      %add3A_152 = vector.broadcast %add3A_151 : i32 to vector<16xi32>
      %add3A_153 = arith.addi %add3A_131, %add3A_152 : vector<16xi32>
      %scan3A_154 = arith.constant 99 : i32
      %scan3A_155 = arith.addi %scan3A_84, %scan3A_154 : i32
      %gather3A_156 = tpu.vector_load_idx %arg6[%add3A_153] : memref<25600xi32, #tpu.memory_space<vmem>>[vector<16xi32>], vector<16xi32>,
      %add3A_157 = arith.constant 1 : i32
      %add3A_158 = vector.broadcast %add3A_157 : i32 to vector<16xi32>
      %add3A_159 = arith.addi %add3A_153, %add3A_158 : vector<16xi32>
      %gather3A_160 = tpu.vector_load_idx %arg6[%add3A_159] : memref<25600xi32, #tpu.memory_space<vmem>>[vector<16xi32>], vector<16xi32>,
      %gather3A_161 = tpu.vector_load_idx %arg8[%gather3A_156, %gather3A_160] : memref<96x32xf32, #tpu.memory_space<vmem>>[vector<16xi32>, vector<16xi32>], vector<16xf32>,
      %add3A_162 = arith.addf %add3A_140, %gather3A_161 : vector<16xf32>
      %add3A_163 = arith.constant 32 : i32
      %add3A_164 = vector.broadcast %add3A_163 : i32 to vector<16xi32>
      %add3A_165 = arith.addi %gather3A_156, %add3A_164 : vector<16xi32>
      %gather3A_166 = tpu.vector_load_idx %arg8[%add3A_165, %gather3A_160] : memref<96x32xf32, #tpu.memory_space<vmem>>[vector<16xi32>, vector<16xi32>], vector<16xf32>,
      %add3A_167 = arith.addf %add3A_145, %gather3A_166 : vector<16xf32>
      %add3A_168 = arith.constant 64 : i32
      %add3A_169 = vector.broadcast %add3A_168 : i32 to vector<16xi32>
      %add3A_170 = arith.addi %gather3A_156, %add3A_169 : vector<16xi32>
      %gather3A_171 = tpu.vector_load_idx %arg8[%add3A_170, %gather3A_160] : memref<96x32xf32, #tpu.memory_space<vmem>>[vector<16xi32>, vector<16xi32>], vector<16xf32>,
      %add3A_172 = arith.addf %add3A_150, %gather3A_171 : vector<16xf32>
      %add3A_173 = arith.constant 2 : i32
      %add3A_174 = vector.broadcast %add3A_173 : i32 to vector<16xi32>
      %add3A_175 = arith.addi %add3A_153, %add3A_174 : vector<16xi32>
      %scan3A_176 = arith.constant 100 : i32
      tpu.vector_store_idx %arg9[%add3A_80, %broadcast_in_dim3A_6], %add3A_162 : memref<128x3xf32, #tpu.memory_space<vmem>>[vector<16xi32>, vector<16xi32>], vector<16xf32>,
      tpu.vector_store_idx %arg9[%add3A_80, %add3A_9], %add3A_167 : memref<128x3xf32, #tpu.memory_space<vmem>>[vector<16xi32>, vector<16xi32>], vector<16xf32>,
      tpu.vector_store_idx %arg9[%add3A_80, %add3A_12], %add3A_172 : memref<128x3xf32, #tpu.memory_space<vmem>>[vector<16xi32>, vector<16xi32>], vector<16xf32>,
    }
    %scan3A_69 = arith.constant 8 : i32
    %add3A_70 = arith.constant 384 : i32
    %add3A_71 = arith.addi %mul3A_2, %add3A_70 : i32
    "tpu.region"() ({
      %run_scoped3A = tpu.sem_alloc : memref<!tpu.dma_semaphore, #tpu.memory_space<semaphore_mem>>
      %dma_start3A_72 = arith.constant 0 : i32
      %dma_start3A_73 = tpu.memref_slice %arg4[%add3A_71, %dma_start3A_72] : memref<16384x3xf32, #tpu.memory_space<hbm>> -> memref<128x3xf32, #tpu.memory_space<hbm>>
      %dma_start3A_74 = arith.constant 0 : i32
      %dma_start3A_75 = tpu.memref_slice %arg4[%add3A_71, %dma_start3A_74] : memref<16384x3xf32, #tpu.memory_space<hbm>> -> memref<128x3xf32, #tpu.memory_space<hbm>>
      tpu.enqueue_dma source(%arg9 : memref<128x3xf32, #tpu.memory_space<vmem>>) target(%dma_start3A_75 : memref<128x3xf32, #tpu.memory_space<hbm>>) target_semaphore(%run_scoped3A : memref<!tpu.dma_semaphore, #tpu.memory_space<semaphore_mem>>)
      %dma_wait3A_76 = arith.constant 0 : i32
      %dma_wait3A_77 = tpu.memref_slice %arg4[%add3A_71, %dma_wait3A_76] : memref<16384x3xf32, #tpu.memory_space<hbm>> -> memref<128x3xf32, #tpu.memory_space<hbm>>
      %dma_wait3A_78 = arith.constant 0 : i32
      %dma_wait3A_79 = tpu.memref_slice %arg4[%add3A_71, %dma_wait3A_78] : memref<16384x3xf32, #tpu.memory_space<hbm>> -> memref<128x3xf32, #tpu.memory_space<hbm>>
      tpu.wait_dma2 semaphore(%run_scoped3A : memref<!tpu.dma_semaphore, #tpu.memory_space<semaphore_mem>>) src(%arg9 : memref<128x3xf32, #tpu.memory_space<vmem>>) dst(%dma_wait3A_79 : memref<128x3xf32, #tpu.memory_space<hbm>>)
      tpu.yield
    }) : () -> ()
    return
  }
}

module attributes {stable_mosaic.version = 14 : i64} {
  func.func @_prep_body(%arg0: memref<8x12xf32, #tpu.memory_space<vmem>>, %arg1: memref<128x12xf32, #tpu.memory_space<vmem>>, %arg2: memref<8x1xf32, #tpu.memory_space<vmem>>, %arg3: memref<8x128xf32, #tpu.memory_space<vmem>>) attributes {dimension_semantics = [], scalar_prefetch = 0 : i64, scratch_operands = 0 : i64, tpu.core_type = #tpu.core_type<tc>} {
    %get3A = arith.constant 0 : index
    %get3A_0 = arith.constant 0 : index
    %get3A_1 = vector.load %arg0[%get3A, %get3A_0] : memref<8x12xf32, #tpu.memory_space<vmem>>, vector<8x12xf32>
    %get3A_2 = arith.constant 0 : index
    %get3A_3 = arith.constant 0 : index
    %get3A_4 = vector.load %arg1[%get3A_2, %get3A_3] : memref<128x12xf32, #tpu.memory_space<vmem>>, vector<128x12xf32>
    %dot_general3A = arith.constant dense<0.000000e+00> : vector<8x128xf32>
    %dot_general3A_5 = tpu.matmul %get3A_1, %get3A_4, %dot_general3A {dimension_numbers = #tpu.dot_dimension_numbers<[1], [1], [0], [0], [0, 0, 1, 0], [], []>, precision = #tpu.contract_precision<fp32>, transpose_lhs_hint = false} : vector<8x12xf32>, vector<128x12xf32>, vector<8x128xf32> -> vector<8x128xf32>
    %get3A_6 = arith.constant 0 : index
    %get3A_7 = arith.constant 0 : index
    %get3A_8 = vector.load %arg2[%get3A_6, %get3A_7] : memref<8x1xf32, #tpu.memory_space<vmem>>, vector<8x1xf32>
    %add3A = vector.broadcast %get3A_8 : vector<8x1xf32> to vector<8x128xf32>
    %add3A_9 = arith.addf %dot_general3A_5, %add3A : vector<8x128xf32>
    %swap3A = arith.constant 0 : index
    %swap3A_10 = arith.constant 0 : index
    %swap3A_11 = vector.load %arg3[%swap3A, %swap3A_10] : memref<8x128xf32, #tpu.memory_space<vmem>>, vector<8x128xf32>
    tpu.vector_store %arg3[%swap3A, %swap3A_10], %add3A_9 {strides = array<i32>} : memref<8x128xf32, #tpu.memory_space<vmem>>, vector<8x128xf32>,
    return
  }
}

</mosaic_0001>

<sc_bundles>
// kernel: kernel.4.cloned.1.call-start
scs
__scs_entry_jumppad:
0x0: {  	(pc) =	sbr.rel $0x88, $3  }
0x1: {  	(tag) =	ssettag $0x0;
	lr =	simm.s32 $0x1  }
0x2: {  	[smem:$0x3F9D] =	sst lr;
	_ =	strace $0xD0000000  }
0x3: {  	_ = 	snop  }
0x4: {  	_ = 	snop  }
0x5: {  	_ = 	snop  }
0x6: {  	_ = 	snop  }
0x7: {  	_ = 	snop  }
__scs_overlays_trampoline_lowered:
0x8: {  	[smem:$0x3FAC] =	sst s0  }
0x9: {  	[smem:$0x3FAD] =	sst s1  }
0xa: {  	[smem:$0x3FAE] =	sst s2  }
0xb: {  	[smem:$0x3FAF] =	sst s3  }
0xc: {  	[smem:$0x3FB0] =	sst s4  }
0xd: {  	[smem:$0x3FB1] =	sst s5  }
0xe: {  	[smem:$0x3FB2] =	sst s6  }
0xf: {  	[smem:$0x3FB3] =	sst s7  }
0x10: {  	[smem:$0x3FB4] =	sst s8  }
0x11: {  	[smem:$0x3FB5] =	sst s9;
	s0 =	simm.s32 @!p0 $0x0  }
0x12: {  	s1 =	sld [smem:$0x3F9B];
	s0 =	simm.s32 @p0 $0x1  }
0x13: {  	[smem:$0x3FB6] =	sst s0;
	s0 =	simm.s32 @!p1 $0x0  }
0x14: {  	s2 =	sld [smem:$0x3F9A];
	s0 =	simm.s32 @p1 $0x1  }
0x15: {  	[smem:$0x3FB7] =	sst s0;
	s0 =	simm.s32 @!p2 $0x0  }
0x16: {  	s3 =	sld [smem:$0x3FDB];
	s0 =	simm.s32 @p2 $0x1  }
0x17: {  	s4 =	simm.s32 $0x1BF5;
	[smem:$0x3FB9] =	sst s0  }
0x18: {  	s0 =	sld [smem:$0x3F9C];
	_ =	swait.ge [sflag:s4], $0x0  }
0x19: {  	s7 =	sld [smem:$0x3F9D]  }
0x1a: {  	s8 =	sadd.s32 $0xFFFFE003, lr  }
0x1b: {  	s9 =	sadd.s32 $0xFFFFFEF7, lr;
	s5 =	simm.s32 $0xFFFFFFFF;
	p2 =	slt.u32 s8, $0xFFFFF086  }
0x1c: {  	p1 =	slt.u32 s9, $0xF7A;
	s5 =	simm.s32 @!p2 $0x0  }
0x1d: {  	s5 =	simm.s32 @p1 $0x1;
	p0 =	seq.s32 s7, s2  }
0x1e: {  	s7 =	smul.u32 @!p0 $0xF7A, s2;
	p2 =	seq.s32 @!p0 s5, $0x0  }
0x1f: {  	s9 =	smul.u32 $0xF7A, s1;
	s8 =	simm.s32 @!p0 $0x1BF5;
	p2 =	por !p2, p0  }
0x20: {  	[sflag:s8] =	ssyncset.s32 @!p0 $0xFFFFF086;
	s6 =	sadd.s32 @!p0 s3, s7;
	s7 =	simm.s32 @!p0 $0x108  }
0x21: {  	s3 =	sadd.s32 s3, s9;
	s6 =	sadd.s32 @!p0 $0x88, s6;
	s7 =	simm.s32 @p2 $0x1082  }
0x22: {  	[simem:s7], [sflag:s8] =	dma.local @!p0 [hbm:s6], $0xF7A  }
0x23: {  	s9 =	sor.u32 $0xD0000000, s2;
	s6 =	simm.s32 $0x108;
	_ =	swait.ge @!p0 [sflag:s8], $0x0  }
0x24: {  	s3 =	sadd.s32 $0x88, s3;
	s6 =	simm.s32 @!p1 $0x1082;
	[sflag:s4] =	ssyncset.s32 $0xFFFFF086  }
0x25: {  	[simem:s6], [sflag:s4] =	dma.local [hbm:s3], $0xF7A  }
0x26: {  	[smem:$0x3F9D] =	sst s1;
	(tag) =	ssettag s2;
	_ =	strace s9  }
0x27: {  	s1 =	sld [smem:$0x3FAD]  }
0x28: {  	s2 =	sld [smem:$0x3FAE]  }
0x29: {  	s4 =	sld [smem:$0x3FB0]  }
0x2a: {  	p0 =	seq.s32 s5, $0x0;
	s5 =	sld [smem:$0x3FB1]  }
0x2b: {  	s6 =	sld [smem:$0x3FB2]  }
0x2c: {  	s7 =	sld [smem:$0x3FB3]  }
0x2d: {  	s3 =	simm.s32 $0x108;
	s8 =	sld [smem:$0x3FB4]  }
0x2e: {  	s3 =	simm.s32 @!p0 $0x1082;
	s9 =	sld [smem:$0x3FB5]  }
0x2f: {  	lr =	sadd.s32 s0, s3;
	s0 =	sld [smem:$0x3FAC]  }
0x30: {  	s3 =	sld [smem:$0x3FAF]  }
0x31: {  	[smem:$0x3FB8] =	sst s10  }
0x32: {  	s10 =	sld [smem:$0x3FB6];
	_ =	sdelay $0x3  }
0x33: {  	p0 =	seq.s32 s10, $0x1;
	s10 =	sld [smem:$0x3FB8];
	_ =	sdelay $0x3  }
0x34: {  	[smem:$0x3FB8] =	sst s10  }
0x35: {  	s10 =	sld [smem:$0x3FB7];
	_ =	sdelay $0x3  }
0x36: {  	p1 =	seq.s32 s10, $0x1;
	s10 =	sld [smem:$0x3FB8];
	_ =	sdelay $0x3  }
0x37: {  	[smem:$0x3FB8] =	sst s10  }
0x38: {  	s10 =	sld [smem:$0x3FB9]  }
0x39: {  	_ = 	snop;
	(pc) =	sbr.ind lr, $3  }
0x3a: {  	_ = 	snop  }
0x3b: {  	_ = 	snop  }
0x3c: {  	p2 =	seq.s32 s10, $0x1;
	s10 =	sld [smem:$0x3FB8]  }
0x3d: {  	_ =	shalt  }
0x3e: {  	_ =	shalt  }
0x3f: {  	_ =	shalt  }
0x40: {  	_ =	shalt  }
0x41: {  	_ =	shalt  }
0x42: {  	_ =	shalt  }
0x43: {  	_ =	shalt  }
0x44: {  	_ =	shalt  }
0x45: {  	_ =	shalt  }
0x46: {  	_ =	shalt  }
0x47: {  	_ =	shalt  }
0x48: {  	_ =	shalt  }
0x49: {  	_ =	shalt  }
0x4a: {  	_ =	shalt  }
0x4b: {  	_ =	shalt  }
0x4c: {  	_ =	shalt  }
0x4d: {  	_ =	shalt  }
0x4e: {  	_ =	shalt  }
0x4f: {  	_ =	shalt  }
0x50: {  	_ =	shalt  }
0x51: {  	_ =	shalt  }
0x52: {  	_ =	shalt  }
0x53: {  	_ =	shalt  }
0x54: {  	_ =	shalt  }
0x55: {  	_ =	shalt  }
0x56: {  	_ =	shalt  }
0x57: {  	_ =	shalt  }
0x58: {  	_ =	shalt  }
0x59: {  	_ =	shalt  }
0x5a: {  	_ =	shalt  }
0x5b: {  	_ =	shalt  }
0x5c: {  	_ =	shalt  }
0x5d: {  	_ =	shalt  }
0x5e: {  	_ =	shalt  }
0x5f: {  	_ =	shalt  }
0x60: {  	_ =	shalt  }
0x61: {  	_ =	shalt  }
0x62: {  	_ =	shalt  }
0x63: {  	_ =	shalt  }
0x64: {  	_ =	shalt  }
0x65: {  	_ =	shalt  }
0x66: {  	_ =	shalt  }
0x67: {  	_ =	shalt  }
0x68: {  	_ =	shalt  }
0x69: {  	_ =	shalt  }
0x6a: {  	_ =	shalt  }
0x6b: {  	_ =	shalt  }
0x6c: {  	_ =	shalt  }
0x6d: {  	_ =	shalt  }
0x6e: {  	_ =	shalt  }
0x6f: {  	_ =	shalt  }
0x70: {  	_ =	shalt  }
0x71: {  	_ =	shalt  }
0x72: {  	_ =	shalt  }
0x73: {  	_ =	shalt  }
0x74: {  	_ =	shalt  }
0x75: {  	_ =	shalt  }
0x76: {  	_ =	shalt  }
0x77: {  	_ =	shalt  }
0x78: {  	_ =	shalt  }
0x79: {  	_ =	shalt  }
0x7a: {  	_ =	shalt  }
0x7b: {  	_ =	shalt  }
0x7c: {  	_ =	shalt  }
0x7d: {  	_ =	shalt  }
0x7e: {  	_ =	shalt  }
0x7f: {  	_ =	shalt  }
0x80: {  	_ =	shalt  }
0x81: {  	_ =	shalt  }
0x82: {  	_ =	shalt  }
0x83: {  	_ =	shalt  }
0x84: {  	_ =	shalt  }
0x85: {  	_ =	shalt  }
0x86: {  	_ =	shalt  }
0x87: {  	_ =	shalt  }
.Lfunc_end0:
.L_simem_size_0:
called_computation_lowered:
.L_overlay_start_0:
0x88: {  	s2 =	sld [smem:$0x3FD9]  }
0x89: {  	s3 =	sld [smem:$0x3FFE];
	_ =	sdelay $0x1  }
0x8a: {  	s1 =	srdreg.scid  }
0x8b: {  	s0 =	sand.u32 $0x1, s1  }
0x8c: {  	s17 =	sshll.u32 s0, $0xA;
	s2 =	sadd.s32 s3, s2  }
0x8d: {  	s2 =	sadd.s32 s2, s17  }
0x8e: {  	[smem:$0x3FC4] =	sst s2  }
0x8f: {  	_ = 	snop  }
0x90: {  	s2 =	sld [smem:$0x3FD0];
	(tm) =	ssettm $0x1  }
0x91: {  	s18 =	sld [smem:$0x3FFB];
	_ =	sdelay $0x3  }
0x92: {  	_ =	strace s18  }
0x93: {  	s3 =	sld [smem:$0x3FFC];
	_ =	sdelay $0x3  }
0x94: {  	_ =	strace s3  }
0x95: {  	s3 =	sld [smem:$0x3FFD];
	_ =	sdelay $0x3  }
0x96: {  	_ =	strace s3  }
0x97: {  	_ =	strace $0x8FFFFFFF  }
0x98: {  	s19 =	sld [smem:$0x3FDB];
	_ =	sdelay $0x1  }
0x99: {  	s4 =	simm.s32 $_scs_section_size  }
0x9a: {  	s5 =	simm.s32 $_size__tile_overlayer_lowered;
	s6 =	simm.s32 $_tile_overlayer_lowered  }
0x9b: {  	s22 =	simm.s32 $0x1BFF;
	s21 =	sshll.u32 s6, $0x1;
	s3 =	sadd.s32 s4, s19  }
0x9c: {  	s7 =	simm.s32 $0x0;
	s20 =	sshll.u32 s5, $0x1;
	s5 =	sadd.s32 s21, s3  }
0x9d: {  	[timem:s7], [sflag:s22] =	dma.local [hbm:s5], s20  }
0x9e: {  	_ =	swait.ge [sflag:s22], s20  }
0x9f: {  	s4 =	ssub.s32 $0x0, s20;
	[sflag:s22] =	ssyncset.done $0x0  }
0xa0: {  	[sflag:s22] =	ssyncadd.s32 s4;
	_ =	sdelay $0x1  }
0xa1: {  	s23 =	simm.s32 $0x1B8B  }
0xa2: {  	_ =	swait.ge [sflag:s23], $0x1  }
0xa3: {  	[sflag:s23] =	ssyncset.done $0x0  }
0xa4: {  	s25 =	simm.s32 $0x1B8E;
	s24 =	sld [smem:$0x3FFE];
	[sflag:s23] =	ssyncadd.s32 $0xFFFFFFFF  }
0xa5: {  	s26 =	simm.s32 $execute0_lowered;
	[smem:$0x3FD2] =	sst s25  }
0xa6: {  	s5 =	sshll.u32 s26, $0x1;
	_ =	strace $0x80000046;
	[dreg:$0x1] =	wrdreg $0xFFFFFFFF  }
0xa7: {  	s28 =	simm.s32 $_size_execute0_lowered;
	s3 =	sadd.s32 s3, s5;
	[dreg:$0x0] =	wrdreg $0x0  }
0xa8: {  	s5 =	sshll.u32 s28, $0x1;
	[dreg:$0x2] =	wrdreg s3  }
0xa9: {  	[dreg:$0x3] =	wrdreg s5  }
0xaa: {  	[dreg:$0x4] =	wrdreg $0xC0  }
0xab: {  	_ =	task [dreg:s7], $0x5FFFF  }
0xac: {  	[dreg:$0x1] =	wrdreg $0xFFFFFFFF  }
0xad: {  	[dreg:$0x0] =	wrdreg $0x60  }
0xae: {  	[dreg:$0x2] =	wrdreg s24  }
0xaf: {  	[dreg:$0x3] =	wrdreg s2  }
0xb0: {  	[dreg:$0x4] =	wrdreg $0x9  }
0xb1: {  	_ =	task.clear_ibuf [dreg:s7], $0x5FFFF;
	_ =	strace $0x90000046  }
0xb2: {  	s29 =	simm.s32 $0x9;
	_ =	strace $0x80000048  }
0xb3: {  	_ =	swait.ge [sflag:s29], $0x1  }
0xb4: {  	[sflag:s29] =	ssyncadd.s32 $0xFFFFFFFF  }
0xb5: {  	_ =	strace $0x90000048  }
0xb6: {  	_ =	sfence  }
0xb7: {  	s30 =	sld [smem:$0x0];
	_ =	sdelay $0x2  }
0xb8: {  	s31 =	sshll.u32 s1, $0xD;
	s1 =	sshrl.u32 s1, $0x2  }
0xb9: {  	s3 =	sand.u32 $0x4000, s31;
	s1 =	sadd.s32 s1, s30  }
0xba: {  	s0 =	sor.u32 s3, s0;
	s1 =	sshll.u32 s1, $0x11  }
0xbb: {  	s0 =	sor.u32 s1, s0  }
0xbc: {  	s0 =	sadd.s32 $0x8F2B, s0  }
0xbd: {  	[sflag:s0] =	ssyncadd.remote.s32 $0x1  }
0xbe: {  	_ =	sfence.sel $0xFFFF  }
0xbf: {  	[dreg:$0x0] =	wrdreg $0xFFFFFFFF;
	(pc) =	sbr.abs _section_cstart, $3  }
0xc0: {  	[dreg:$0x1] =	wrdreg $0xFFFFFFFF  }
0xc1: {  	_ =	task.clear_ibuf [dreg:s7], $0x2FFFF;
	_ =	strace $0x9FFFFFFF  }
0xc2: {  	(tm) =	ssettm $0x7FFFFFFF  }
0xc3: {  	_ =	shalt  }
tec
execute0_lowered:
.L_overlay_start_1:
0x0: {  	(tag) =	ssettag $0x1  }
0x1: {  	s4 =	rddreg [dreg:$0x0]  }
0x2: {  	s2 =	rddreg [dreg:$0x1]  }
0x3: {  	s0 =	rddreg [dreg:$0x2];
	s3 =	simm.s32 $0x0;
	s5 =	srdreg.scid  }
0x4: {  	s1 =	stileid.u32;
	s16 =	simm.s32 $0x1;
	s17 =	simm.s32 $0xCC00  }
0x5: {  	s18 =	simm.s32 $0xD800;
	s5 =	sand.u32 $0x1, s5;
	s6 =	sshll.u32 s1, $0x1  }
0x6: {  	s19 =	simm.s32 $0x2;
	s20 =	simm.s32 $0x0;
	s6 =	sor.u32 s5, s6  }
0x7: {  	[smem:$0x7FF] =	sst s3;
	s9 =	sadd.s32 $0xC00, s4;
	s7 =	sshll.u32 s6, $0x9  }
0x8: {  	s11 =	sadd.s32 $0x64C00, s4;
	s29 =	smul.u32 $0x3200, s6;
	s8 =	sor.u32 $0x80, s7  }
0x9: {  	s28 =	ssub.s32 $0x2, s5;
	s12 =	sor.u32 $0x100, s7;
	s10 =	smul.u32 $0x19, s8  }
0xa: {  	s30 =	sshrl.u32 s28, $0x1;
	s15 =	sor.u32 $0x180, s7;
	s14 =	smul.u32 $0x19, s12  }
0xb: {  	_ =	strace $0x80000047;
	s13 =	ssub.s32 s28, s30;
	s31 =	smul.u32 $0x19, s15  }
0xc: {  	s6 =	sadd.s32 s11, s7;
	s4 =	sadd.s32 s9, s29;
	s8 =	sadd.s32 s11, s8  }
0xd: {  	s5 =	sadd.s32 s9, s10;
	s7 =	sadd.s32 s9, s14;
	s9 =	sadd.s32 s9, s31  }
0xe: {  	s10 =	sadd.s32 s11, s12;
	s11 =	sadd.s32 s11, s15;
	s12 =	smax.u32 s13, $0x1  }
0xf: {  	v0 =	vlaneseq.u32;
	s13 =	simm.s32 $0xC800;
	s14 =	simm.s32 $0x3;
	s15 =	simm.s32 $0x6400  }
.LBB2_1:
0x10: {  	v1 =	vmov s3;
	s21 =	simm.s32 $0x0  }
0x11: {  	s22 =	sand.u32 $0xFFFFFF80, s21;
	v1 =	vand.u32 $0x1F, v1  }
0x12: {  	v1 =	vor.u32 s22, v1  }
0x13: {  	[tilespmem:s13], [sflag:$0x3] =	stream.linear.gather [hbm4b:s2+s3], $0x400, $0x38;
	v1 =	vbroadcast v1, $0x0;
	[tilespmem:$0xDC00] =	vst v63  }
0x14: {  	_ =	swait.ge [sflag:s14], $0x400  }
0x15: {  	[sflag:s14] =	ssyncset.done $0x0  }
0x16: {  	s24 =	sand.u32 $0x3FFFFF80, s21;
	[sflag:s14] =	ssyncadd.s32 $0xFFFFFC00  }
0x17: {  	[tilespmem:s3], [sflag:$0x1] =	stream.linear.gather [hbm4b:s4+s3], $0x6400, $0x38;
	[tilespmem:$0xDC00] =	vst v63  }
0x18: {  	v2 =	vld [tilespmem:s24+$0xC800]  }
0x19: {  	v1 =	vld.idx.msk [tilespmem:v1+s13+$0x0], $0xffff;
	_ =	sdelay $0x4  }
0x1a: {  	v3 =	vadd.f32 v2, v1  }
0x1b: {  	s31 =	simm.s32 $0x1;
	s21 =	simm.s32 $0xCC10  }
0x1c: {  	s23 =	simm.s32 $0x4;
	s22 =	simm.s32 $0x2;
	v2 =	vmov s31;
	[tilespmem:s21+$0xFFFFFFF0] =	vst v3  }
.LBB2_2:
0x1d: {  	p0 =	sne.s32 s22, $0x5F;
	s25 =	sand.u32 $0xFFFFFF80, s23;
	v2 =	vand.u32 $0x1F, v2;
	v3 =	vld [tilespmem:s24+$0xC810]  }
0x1e: {  	v2 =	vor.u32 s25, v2  }
0x1f: {  	v2 =	vbroadcast v2, $0x0;
	_ =	sdelay $0x2  }
0x20: {  	v1 =	vadd.f32 v3, v1;
	_ =	sdelay $0x1  }
0x21: {  	[tilespmem:s21+$0x0] =	vst v1  }
0x22: {  	s24 =	sand.u32 $0x3FFFFF80, s23;
	v1 =	vld.idx.msk [tilespmem:v2+s13+$0x0], $0xffff  }
0x23: {  	v2 =	vld [tilespmem:s24+$0xC800];
	_ =	sdelay $0x2  }
.Ltmp0:
0x24: {  	(pc) =	sbr.rel @p0 .LBB2_2-.Ltmp0, $4  }
0x25: {  	_ = 	snop  }
0x26: {  	v3 =	vadd.f32 v2, v1  }
0x27: {  	s21 =	sadd.s32 $0x20, s21  }
0x28: {  	s23 =	sshll.u32 s22, $0x2;
	v2 =	vmov s22;
	s22 =	sadd.s32 $0x1, s22;
	[tilespmem:s21+$0xFFFFFFF0] =	vst v3  }
0x29: {  	s22 =	sand.u32 $0xFFFFFF80, s23;
	v2 =	vand.u32 $0x1F, v2;
	v3 =	vld [tilespmem:s24+$0xC810]  }
0x2a: {  	v2 =	vor.u32 s22, v2  }
0x2b: {  	v2 =	vbroadcast v2, $0x0;
	_ =	sdelay $0x2  }
0x2c: {  	v1 =	vadd.f32 v3, v1;
	_ =	sdelay $0x1  }
0x2d: {  	[tilespmem:s21+$0x0] =	vst v1  }
0x2e: {  	s30 =	sand.u32 $0x3FFFFF80, s23;
	v1 =	vld.idx.msk [tilespmem:v2+s13+$0x0], $0xffff  }
0x2f: {  	v2 =	vld [tilespmem:s30+$0xC800];
	_ =	sdelay $0x4  }
0x30: {  	v2 =	vadd.f32 v2, v1  }
0x31: {  	s31 =	sadd.s32 $0x20, s21  }
0x32: {  	[tilespmem:s31+$0xFFFFFFF0] =	vst v2  }
0x33: {  	v2 =	vld [tilespmem:s30+$0xC810];
	_ =	sdelay $0x4  }
0x34: {  	v1 =	vadd.f32 v2, v1;
	_ =	sdelay $0x1  }
0x35: {  	s21 =	simm.s32 $0x0;
	[tilespmem:s31+$0x0] =	vst v1  }
0x36: {  	[tilespmem:s15], [sflag:$0x2] =	stream.linear.gather [hbm4b:s5+s21], $0x6400, $0x38;
	[tilespmem:$0xDC00] =	vst v63  }
0x37: {  	_ =	swait.ge [sflag:s16], $0x6400  }
0x38: {  	[sflag:s16] =	ssyncset.done $0x0  }
0x39: {  	[sflag:s16] =	ssyncadd.s32 $0xFFFF9C00  }
.LBB2_4:
0x3a: {  	s22 =	sshll.u32 s21, $0x4  }
0x3b: {  	v1 =	vor.u32 s22, v0  }
0x3c: {  	v2 =	vmul.u32 $0xC8, v1;
	_ =	sdelay $0x1  }
0x3d: {  	v3 =	vadd.s32 $0xF, v2  }
0x3e: {  	v4 =	vor.u32 $0x1, v2  }
0x3f: {  	v5 =	vadd.s32 $0xD, v2  }
0x40: {  	v9 =	vor.u32 $0x3, v2  }
0x41: {  	v8 =	vor.u32 $0x2, v2;
	v7 =	vld.idx.msk [tilespmem:v2+s3+$0x0], $0xffff  }
0x42: {  	v6 =	vadd.s32 $0x8, v2;
	v3 =	vld.idx.msk [tilespmem:v3+s3+$0x0], $0xffff  }
0x43: {  	v10 =	vor.u32 $0x4, v2;
	v4 =	vld.idx.msk [tilespmem:v4+s3+$0x0], $0xffff  }
0x44: {  	v11 =	vor.u32 $0x5, v2;
	v12 =	vld.idx.msk [tilespmem:v5+s3+$0x0], $0xffff  }
0x45: {  	v14 =	vadd.s32 $0xA, v2;
	v9 =	vld.idx.msk [tilespmem:v9+s3+$0x0], $0xffff  }
0x46: {  	v15 =	vadd.s32 $0x9, v2;
	v8 =	vld.idx.msk [tilespmem:v8+s3+$0x0], $0xffff  }
0x47: {  	v16 =	vadd.s32 $0xC, v2;
	v6 =	vld.idx.msk [tilespmem:v6+s3+$0x0], $0xffff  }
0x48: {  	v5 =	vor.u32 $0x6, v2;
	v10 =	vld.idx.msk [tilespmem:v10+s3+$0x0], $0xffff  }
0x49: {  	v13 =	vor.u32 $0x7, v2;
	v18 =	vadd.s32 $0xE, v2;
	v11 =	vld.idx.msk [tilespmem:v11+s3+$0x0], $0xffff;
	v7 =	vshll.u32 v7, $0x5  }
0x4a: {  	v14 =	vld.idx.msk [tilespmem:v14+s3+$0x0], $0xffff;
	v17 =	vand.u32 $0xFFFFFFF8, v4;
	v4 =	vand.u32 $0x7, v4;
	v20 =	vand.u32 $0xFFFFFFF8, v9  }
0x4b: {  	v15 =	vld.idx.msk [tilespmem:v15+s3+$0x0], $0xffff;
	v8 =	vshll.u32 v8, $0x5;
	v7 =	vadd.s32 v7, v17;
	v17 =	vadd.s32 $0xB, v2  }
0x4c: {  	v16 =	vld.idx.msk [tilespmem:v16+s3+$0x0], $0xffff;
	v9 =	vand.u32 $0x7, v9;
	v8 =	vadd.s32 v8, v20;
	v4 =	vor.u32 v4, v7  }
0x4d: {  	v5 =	vld.idx.msk [tilespmem:v5+s3+$0x0], $0xffff;
	v8 =	vor.u32 v9, v8  }
0x4e: {  	v59 =	vand.u32 $0x7, v12;
	v7 =	vld.idx.msk [tilespmem:v13+s3+$0x0], $0xffff;
	v19 =	vadd.s32 $0x400, v4  }
0x4f: {  	v22 =	vand.u32 $0xFFFFFFF8, v3;
	v10 =	vshll.u32 v10, $0x5;
	v9 =	vld.idx.msk [tilespmem:v18+s3+$0x0], $0xffff;
	v21 =	vadd.s32 $0x800, v4  }
0x50: {  	v6 =	vshll.u32 v6, $0x5;
	v18 =	vand.u32 $0xFFFFFFF8, v11;
	v23 =	vadd.s32 $0x400, v8;
	v17 =	vld.idx.msk [tilespmem:v17+s3+$0x0], $0xffff  }
0x51: {  	v11 =	vand.u32 $0x7, v11;
	v10 =	vadd.s32 v10, v18;
	v18 =	vadd.s32 $0x800, v8;
	v4 =	vld.idx.msk [tilespmem:v4+s17+$0x0], $0xffff  }
0x52: {  	v3 =	vand.u32 $0x7, v3;
	v10 =	vor.u32 v11, v10;
	v5 =	vshll.u32 v5, $0x5;
	v25 =	vld.idx.msk [tilespmem:v8+s17+$0x0], $0xffff  }
0x53: {  	v24 =	vadd.s32 $0x400, v10;
	v11 =	vand.u32 $0xFFFFFFF8, v7;
	v7 =	vand.u32 $0x7, v7;
	v19 =	vld.idx.msk [tilespmem:v19+s17+$0x0], $0xffff  }
0x54: {  	v8 =	vadd.s32 $0x800, v10;
	v21 =	vld.idx.msk [tilespmem:v21+s17+$0x0], $0xffff;
	v5 =	vadd.s32 v5, v11;
	v11 =	vshll.u32 v14, $0x5  }
0x55: {  	v14 =	vld.idx.msk [tilespmem:v23+s17+$0x0], $0xffff;
	v7 =	vor.u32 v7, v5;
	v5 =	vand.u32 $0xFFFFFFF8, v15;
	v15 =	vand.u32 $0x7, v15  }
0x56: {  	v18 =	vld.idx.msk [tilespmem:v18+s17+$0x0], $0xffff;
	v60 =	vadd.s32 $0x400, v7;
	v26 =	vadd.s32 $0x800, v7;
	v5 =	vadd.s32 v6, v5  }
0x57: {  	v6 =	vshll.u32 v9, $0x5;
	v9 =	vld.idx.msk [tilespmem:v10+s17+$0x0], $0xffff;
	v5 =	vor.u32 v15, v5;
	v10 =	vand.u32 $0xFFFFFFF8, v17  }
0x58: {  	v15 =	vand.u32 $0x7, v17;
	v17 =	vld.idx.msk [tilespmem:v24+s17+$0x0], $0xffff;
	v6 =	vadd.s32 v6, v22;
	v61 =	vadd.s32 $0x400, v5  }
0x59: {  	v10 =	vadd.s32 v11, v10;
	v27 =	vld.idx.msk [tilespmem:v8+s17+$0x0], $0xffff;
	v11 =	vand.u32 $0xFFFFFFF8, v12;
	v12 =	vadd.s32 $0x800, v5  }
0x5a: {  	v13 =	vimm.f32 $0.0e+00;
	v3 =	vor.u32 v3, v6;
	v10 =	vor.u32 v15, v10;
	v8 =	vld.idx.msk [tilespmem:v7+s17+$0x0], $0xffff  }
0x5b: {  	v16 =	vshll.u32 v16, $0x5;
	v6 =	vadd.f32 v19, v13;
	v62 =	vadd.s32 $0x800, v3;
	v15 =	vld.idx.msk [tilespmem:v60+s17+$0x0], $0xffff  }
0x5c: {  	v21 =	vadd.f32 v21, v13;
	v11 =	vadd.s32 v16, v11;
	v7 =	vadd.s32 $0x400, v10;
	v19 =	vld.idx.msk [tilespmem:v26+s17+$0x0], $0xffff  }
0x5d: {  	v16 =	vadd.s32 $0x800, v10;
	v11 =	vor.u32 v59, v11;
	v6 =	vadd.f32 v14, v6;
	v63 =	vld.idx.msk [tilespmem:v61+s17+$0x0], $0xffff  }
0x5e: {  	v13 =	vadd.f32 v4, v13;
	v20 =	vadd.s32 $0x400, v11;
	v12 =	vld.idx.msk [tilespmem:v12+s17+$0x0], $0xffff  }
0x5f: {  	v14 =	vadd.f32 v17, v6;
	v17 =	vadd.s32 $0x800, v11;
	v4 =	vld.idx.msk [tilespmem:v10+s17+$0x0], $0xffff;
	v10 =	vadd.f32 v18, v21  }
0x60: {  	v13 =	vadd.f32 v25, v13;
	v6 =	vld.idx.msk [tilespmem:v62+s17+$0x0], $0xffff  }
0x61: {  	v18 =	vadd.f32 v27, v10;
	v15 =	vadd.f32 v15, v14;
	v10 =	vld.idx.msk [tilespmem:v7+s17+$0x0], $0xffff  }
0x62: {  	v2 =	vadd.s32 $0x10, v2;
	v14 =	vadd.f32 v9, v13;
	v9 =	vld.idx.msk [tilespmem:v16+s17+$0x0], $0xffff  }
0x63: {  	s22 =	simm.s32 $0x0;
	v7 =	vld.idx.msk [tilespmem:v20+s17+$0x0], $0xffff;
	v16 =	vadd.f32 v19, v18;
	v13 =	vadd.f32 v63, v15;
	v15 =	vadd.s32 $0x400, v3  }
.LBB2_5:
0x64: {  	v18 =	vor.u32 $0x1, v2;
	v19 =	vadd.s32 $0xB, v2;
	v20 =	vadd.s32 $0xF, v2;
	s22 =	sadd.s32 $0x8, s22;
	v17 =	vld.idx.msk [tilespmem:v17+s17+$0x0], $0xffff  }
0x65: {  	v22 =	vor.u32 $0x2, v2;
	v23 =	vadd.s32 $0x8, v2;
	v24 =	vadd.s32 $0xE, v2;
	v21 =	vld.idx.msk [tilespmem:v2+s3+$0x0], $0xffff;
	p0 =	slt.u32 s22, $0x58  }
0x66: {  	v25 =	vor.u32 $0x3, v2;
	v8 =	vadd.f32 v8, v14;
	v12 =	vadd.f32 v12, v16;
	v11 =	vld.idx.msk [tilespmem:v11+s17+$0x0], $0xffff  }
0x67: {  	v14 =	vor.u32 $0x4, v2;
	v16 =	vadd.s32 $0xD, v2;
	v10 =	vadd.f32 v10, v13;
	v5 =	vld.idx.msk [tilespmem:v5+s17+$0x0], $0xffff  }
0x68: {  	v13 =	vor.u32 $0x5, v2;
	v9 =	vadd.f32 v9, v12;
	v12 =	vld.idx.msk [tilespmem:v15+s17+$0x0], $0xffff  }
0x69: {  	v15 =	vor.u32 $0x6, v2;
	v7 =	vadd.f32 v7, v10;
	v20 =	vld.idx.msk [tilespmem:v20+s3+$0x0], $0xffff  }
0x6a: {  	v10 =	vor.u32 $0x7, v2;
	v9 =	vadd.f32 v17, v9;
	v3 =	vld.idx.msk [tilespmem:v3+s17+$0x0], $0xffff  }
0x6b: {  	v17 =	vld.idx.msk [tilespmem:v18+s3+$0x0], $0xffff  }
0x6c: {  	v6 =	vadd.f32 v6, v9;
	v16 =	vld.idx.msk [tilespmem:v16+s3+$0x0], $0xffff  }
0x6d: {  	v18 =	vadd.s32 $0xA, v2;
	v5 =	vadd.f32 v5, v8;
	v9 =	vld.idx.msk [tilespmem:v23+s3+$0x0], $0xffff  }
0x6e: {  	v7 =	vadd.f32 v12, v7;
	v8 =	vld.idx.msk [tilespmem:v22+s3+$0x0], $0xffff;
	v22 =	vadd.s32 $0x9, v2  }
0x6f: {  	v12 =	vshll.u32 v21, $0x5;
	v23 =	vadd.s32 $0xC, v2;
	v4 =	vadd.f32 v4, v5;
	v21 =	vld.idx.msk [tilespmem:v25+s3+$0x0], $0xffff  }
0x70: {  	v5 =	vld.idx.msk [tilespmem:v14+s3+$0x0], $0xffff  }
0x71: {  	v14 =	vand.u32 $0xFFFFFFF8, v17;
	v17 =	vand.u32 $0x7, v17;
	v4 =	vadd.f32 v11, v4;
	v13 =	vld.idx.msk [tilespmem:v13+s3+$0x0], $0xffff  }
0x72: {  	v11 =	vadd.s32 v12, v14;
	v12 =	vld.idx.msk [tilespmem:v15+s3+$0x0], $0xffff  }
0x73: {  	v11 =	vor.u32 v17, v11;
	v15 =	vand.u32 $0x7, v16;
	v3 =	vadd.f32 v3, v4;
	v10 =	vld.idx.msk [tilespmem:v10+s3+$0x0], $0xffff  }
0x74: {  	v16 =	vand.u32 $0xFFFFFFF8, v16;
	v17 =	vand.u32 $0x7, v20;
	v4 =	vadd.s32 $0x800, v11;
	v14 =	vld.idx.msk [tilespmem:v18+s3+$0x0], $0xffff  }
0x75: {  	v8 =	vshll.u32 v8, $0x5;
	v18 =	vadd.s32 $0x400, v11;
	v25 =	vand.u32 $0xFFFFFFF8, v21;
	v22 =	vld.idx.msk [tilespmem:v22+s3+$0x0], $0xffff  }
0x76: {  	v20 =	vand.u32 $0xFFFFFFF8, v20;
	v21 =	vand.u32 $0x7, v21;
	v8 =	vadd.s32 v8, v25;
	v23 =	vld.idx.msk [tilespmem:v23+s3+$0x0], $0xffff  }
0x77: {  	v5 =	vshll.u32 v5, $0x5;
	v8 =	vor.u32 v21, v8;
	v21 =	vand.u32 $0xFFFFFFF8, v13;
	v24 =	vld.idx.msk [tilespmem:v24+s3+$0x0], $0xffff  }
0x78: {  	v9 =	vshll.u32 v9, $0x5;
	v25 =	vadd.s32 $0x400, v8;
	v5 =	vadd.s32 v5, v21;
	v11 =	vld.idx.msk [tilespmem:v11+s17+$0x0], $0xffff  }
0x79: {  	v13 =	vand.u32 $0x7, v13;
	v21 =	vadd.s32 $0x800, v8;
	v26 =	vand.u32 $0x7, v10;
	v19 =	vld.idx.msk [tilespmem:v19+s3+$0x0], $0xffff  }
0x7a: {  	v12 =	vshll.u32 v12, $0x5;
	v5 =	vor.u32 v13, v5;
	v10 =	vand.u32 $0xFFFFFFF8, v10;
	v18 =	vld.idx.msk [tilespmem:v18+s17+$0x0], $0xffff  }
0x7b: {  	v13 =	vadd.s32 $0x400, v5;
	v10 =	vadd.s32 v12, v10;
	v12 =	vand.u32 $0xFFFFFFF8, v22;
	v4 =	vld.idx.msk [tilespmem:v4+s17+$0x0], $0xffff  }
0x7c: {  	v27 =	vadd.s32 $0x800, v5;
	v14 =	vshll.u32 v14, $0x5;
	v10 =	vor.u32 v26, v10;
	v8 =	vld.idx.msk [tilespmem:v8+s17+$0x0], $0xffff  }
0x7d: {  	v22 =	vand.u32 $0x7, v22;
	v26 =	vadd.s32 $0x400, v10;
	v24 =	vshll.u32 v24, $0x5;
	v25 =	vld.idx.msk [tilespmem:v25+s17+$0x0], $0xffff  }
0x7e: {  	v9 =	vadd.s32 v9, v12;
	v3 =	vadd.f32 v11, v3;
	v11 =	vld.idx.msk [tilespmem:v21+s17+$0x0], $0xffff;
	v21 =	vadd.s32 $0x800, v10  }
0x7f: {  	v12 =	vld.idx.msk [tilespmem:v5+s17+$0x0], $0xffff;
	v5 =	vor.u32 v22, v9;
	v9 =	vand.u32 $0xFFFFFFF8, v19;
	v19 =	vand.u32 $0x7, v19  }
0x80: {  	v7 =	vadd.f32 v18, v7;
	v13 =	vld.idx.msk [tilespmem:v13+s17+$0x0], $0xffff;
	v18 =	vadd.s32 $0x400, v5;
	v9 =	vadd.s32 v14, v9  }
0x81: {  	v4 =	vadd.f32 v4, v6;
	v14 =	vadd.s32 v24, v20;
	v6 =	vld.idx.msk [tilespmem:v27+s17+$0x0], $0xffff;
	v9 =	vor.u32 v19, v9  }
0x82: {  	v22 =	vadd.s32 $0x800, v5;
	v19 =	vadd.f32 v8, v3;
	v3 =	vor.u32 v17, v14;
	v20 =	vld.idx.msk [tilespmem:v26+s17+$0x0], $0xffff  }
0x83: {  	v14 =	vshll.u32 v23, $0x5;
	v7 =	vadd.f32 v25, v7;
	v23 =	vadd.s32 $0x800, v3;
	v21 =	vld.idx.msk [tilespmem:v21+s17+$0x0], $0xffff  }
0x84: {  	v17 =	vadd.f32 v11, v4;
	v4 =	vadd.s32 v14, v16;
	v8 =	vld.idx.msk [tilespmem:v10+s17+$0x0], $0xffff;
	v10 =	vadd.s32 $0x400, v9  }
0x85: {  	v14 =	vadd.f32 v12, v19;
	v19 =	vadd.s32 $0x800, v9;
	v11 =	vor.u32 v15, v4;
	v18 =	vld.idx.msk [tilespmem:v18+s17+$0x0], $0xffff  }
0x86: {  	v7 =	vadd.f32 v13, v7;
	v15 =	vadd.s32 $0x400, v11;
	v4 =	vld.idx.msk [tilespmem:v9+s17+$0x0], $0xffff  }
.Ltmp1:
0x87: {  	v9 =	vadd.f32 v6, v17;
	v17 =	vadd.s32 $0x800, v11;
	v12 =	vld.idx.msk [tilespmem:v22+s17+$0x0], $0xffff;
	(pc) =	sbr.rel @p0 .LBB2_5-.Ltmp1, $4  }
0x88: {  	v2 =	vadd.s32 $0x10, v2;
	v7 =	vadd.f32 v20, v7;
	v6 =	vld.idx.msk [tilespmem:v23+s17+$0x0], $0xffff  }
0x89: {  	v16 =	vadd.f32 v21, v9;
	v10 =	vld.idx.msk [tilespmem:v10+s17+$0x0], $0xffff  }
0x8a: {  	v9 =	vld.idx.msk [tilespmem:v19+s17+$0x0], $0xffff  }
0x8b: {  	v13 =	vadd.f32 v18, v7;
	v7 =	vld.idx.msk [tilespmem:v15+s17+$0x0], $0xffff;
	v15 =	vadd.s32 $0x400, v3  }
0x8c: {  	v18 =	vor.u32 $0x1, v2  }
0x8d: {  	v19 =	vor.u32 $0x2, v2  }
0x8e: {  	v20 =	vor.u32 $0x3, v2;
	_ =	sdelay $0x1  }
0x8f: {  	v21 =	vld.idx.msk [tilespmem:v2+s3+$0x0], $0xffff  }
0x90: {  	v22 =	vor.u32 $0x4, v2;
	v18 =	vld.idx.msk [tilespmem:v18+s3+$0x0], $0xffff  }
0x91: {  	v23 =	vor.u32 $0x5, v2;
	v19 =	vld.idx.msk [tilespmem:v19+s3+$0x0], $0xffff  }
0x92: {  	v24 =	vor.u32 $0x6, v2;
	v2 =	vor.u32 $0x7, v2;
	v20 =	vld.idx.msk [tilespmem:v20+s3+$0x0], $0xffff;
	_ =	sdelay $0x1  }
0x93: {  	v5 =	vld.idx.msk [tilespmem:v5+s17+$0x0], $0xffff  }
0x94: {  	v8 =	vadd.f32 v8, v14;
	v22 =	vld.idx.msk [tilespmem:v22+s3+$0x0], $0xffff  }
0x95: {  	v21 =	vshll.u32 v21, $0x5;
	v23 =	vld.idx.msk [tilespmem:v23+s3+$0x0], $0xffff;
	v25 =	vand.u32 $0xFFFFFFF8, v18;
	v18 =	vand.u32 $0x7, v18  }
0x96: {  	v2 =	vld.idx.msk [tilespmem:v2+s3+$0x0], $0xffff;
	v38 =	vand.u32 $0xFFFFFFF8, v20;
	v19 =	vshll.u32 v19, $0x5;
	v21 =	vadd.s32 v21, v25  }
0x97: {  	v24 =	vld.idx.msk [tilespmem:v24+s3+$0x0], $0xffff;
	v20 =	vand.u32 $0x7, v20;
	v19 =	vadd.s32 v19, v38;
	v37 =	vor.u32 v18, v21  }
0x98: {  	v17 =	vld.idx.msk [tilespmem:v17+s17+$0x0], $0xffff;
	v40 =	vor.u32 v20, v19  }
0x99: {  	v11 =	vld.idx.msk [tilespmem:v11+s17+$0x0], $0xffff;
	v5 =	vadd.f32 v5, v8;
	v18 =	vadd.s32 $0x400, v37  }
0x9a: {  	v15 =	vld.idx.msk [tilespmem:v15+s17+$0x0], $0xffff;
	v42 =	vand.u32 $0xFFFFFFF8, v23;
	v43 =	vshll.u32 v22, $0x5;
	v39 =	vadd.s32 $0x800, v37  }
0x9b: {  	v3 =	vld.idx.msk [tilespmem:v3+s17+$0x0], $0xffff;
	v45 =	vand.u32 $0x7, v23;
	v49 =	vand.u32 $0xFFFFFFF8, v2;
	v41 =	vadd.s32 $0x400, v40  }
0x9c: {  	v50 =	vshll.u32 v24, $0x5;
	v19 =	vadd.s32 v43, v42;
	v44 =	vadd.s32 $0x800, v40;
	v14 =	vld.idx.msk [tilespmem:v37+s17+$0x0], $0xffff  }
0x9d: {  	v2 =	vand.u32 $0x7, v2;
	v21 =	vadd.s32 v50, v49;
	v47 =	vor.u32 v45, v19;
	v8 =	vld.idx.msk [tilespmem:v40+s17+$0x0], $0xffff  }
0x9e: {  	v12 =	vadd.f32 v12, v16;
	v4 =	vadd.f32 v4, v5;
	v2 =	vor.u32 v2, v21;
	v46 =	vld.idx.msk [tilespmem:v18+s17+$0x0], $0xffff  }
0x9f: {  	v10 =	vadd.f32 v10, v13;
	v19 =	vadd.s32 $0x400, v47;
	v48 =	vld.idx.msk [tilespmem:v39+s17+$0x0], $0xffff  }
0xa0: {  	v9 =	vadd.f32 v9, v12;
	v4 =	vadd.f32 v11, v4;
	v51 =	vadd.s32 $0x800, v47;
	v52 =	vld.idx.msk [tilespmem:v41+s17+$0x0], $0xffff  }
0xa1: {  	v7 =	vadd.f32 v7, v10;
	v54 =	vadd.s32 $0x400, v2;
	v53 =	vld.idx.msk [tilespmem:v44+s17+$0x0], $0xffff  }
0xa2: {  	v9 =	vadd.f32 v17, v9;
	v3 =	vadd.f32 v3, v4;
	v56 =	vadd.s32 $0x800, v2;
	v55 =	vld.idx.msk [tilespmem:v47+s17+$0x0], $0xffff  }
0xa3: {  	v7 =	vadd.f32 v15, v7;
	v2 =	vld.idx.msk [tilespmem:v2+s17+$0x0], $0xffff  }
0xa4: {  	v6 =	vadd.f32 v6, v9;
	v57 =	vld.idx.msk [tilespmem:v19+s17+$0x0], $0xffff;
	v3 =	vadd.f32 v14, v3  }
0xa5: {  	v58 =	vld.idx.msk [tilespmem:v51+s17+$0x0], $0xffff;
	v5 =	vadd.f32 v46, v7  }
0xa6: {  	v59 =	vld.idx.msk [tilespmem:v54+s17+$0x0], $0xffff;
	v6 =	vadd.f32 v48, v6;
	v3 =	vadd.f32 v8, v3  }
0xa7: {  	v1 =	vshll.u32 v1, $0x3;
	v60 =	vld.idx.msk [tilespmem:v56+s17+$0x0], $0xffff;
	v5 =	vadd.f32 v52, v5  }
0xa8: {  	s21 =	sadd.s32 $0x1, s21;
	v61 =	vor.u32 $0x1, v1;
	v6 =	vadd.f32 v53, v6;
	v3 =	vadd.f32 v55, v3  }
0xa9: {  	v62 =	vor.u32 $0x2, v1;
	p0 =	sne.s32 s21, $0x8;
	v5 =	vadd.f32 v57, v5  }
.Ltmp2:
0xaa: {  	v6 =	vadd.f32 v58, v6;
	v2 =	vadd.f32 v2, v3;
	(pc) =	sbr.rel @p0 .LBB2_4-.Ltmp2, $4  }
0xab: {  	v3 =	vadd.f32 v59, v5  }
0xac: {  	v63 =	vadd.f32 v60, v6;
	[tilespmem:v1+s18+$0x0] =	vst.idx.msk $0xffff, v2  }
0xad: {  	[tilespmem:v61+s18+$0x0] =	vst.idx.msk $0xffff, v3  }
0xae: {  	[tilespmem:v62+s18+$0x0] =	vst.idx.msk $0xffff, v63  }
0xaf: {  	s21 =	simm.s32 $0x0  }
0xb0: {  	[hbm4b:s6+s21] =	stream.linear.scatter [tilespmem:s18], [sflag:$0x3], $0x400, $0x38;
	[tilespmem:$0xDC00] =	vst v63  }
0xb1: {  	_ =	swait.ge [sflag:s14], $0x400  }
0xb2: {  	[sflag:s14] =	ssyncset.done $0x0  }
0xb3: {  	[sflag:s14] =	ssyncadd.s32 $0xFFFFFC00  }
0xb4: {  	[tilespmem:s21], [sflag:$0x1] =	stream.linear.gather [hbm4b:s7+s21], $0x6400, $0x38;
	[tilespmem:$0xDC00] =	vst v63  }
0xb5: {  	_ =	swait.ge [sflag:s19], $0x6400  }
0xb6: {  	[sflag:s19] =	ssyncset.done $0x0  }
0xb7: {  	[sflag:s19] =	ssyncadd.s32 $0xFFFF9C00  }
.LBB2_8:
0xb8: {  	s22 =	sshll.u32 s21, $0x4  }
0xb9: {  	v1 =	vor.u32 s22, v0  }
0xba: {  	v2 =	vmul.u32 $0xC8, v1;
	_ =	sdelay $0x1  }
0xbb: {  	v3 =	vadd.s32 $0xF, v2  }
0xbc: {  	v4 =	vor.u32 $0x1, v2  }
0xbd: {  	v5 =	vadd.s32 $0xD, v2  }
0xbe: {  	v9 =	vor.u32 $0x3, v2  }
0xbf: {  	v8 =	vor.u32 $0x2, v2;
	v7 =	vld.idx.msk [tilespmem:v2+s15+$0x0], $0xffff  }
0xc0: {  	v6 =	vadd.s32 $0x8, v2;
	v3 =	vld.idx.msk [tilespmem:v3+s15+$0x0], $0xffff  }
0xc1: {  	v10 =	vor.u32 $0x4, v2;
	v4 =	vld.idx.msk [tilespmem:v4+s15+$0x0], $0xffff  }
0xc2: {  	v11 =	vor.u32 $0x5, v2;
	v12 =	vld.idx.msk [tilespmem:v5+s15+$0x0], $0xffff  }
0xc3: {  	v14 =	vadd.s32 $0xA, v2;
	v9 =	vld.idx.msk [tilespmem:v9+s15+$0x0], $0xffff  }
0xc4: {  	v15 =	vadd.s32 $0x9, v2;
	v8 =	vld.idx.msk [tilespmem:v8+s15+$0x0], $0xffff  }
0xc5: {  	v16 =	vadd.s32 $0xC, v2;
	v6 =	vld.idx.msk [tilespmem:v6+s15+$0x0], $0xffff  }
0xc6: {  	v5 =	vor.u32 $0x6, v2;
	v10 =	vld.idx.msk [tilespmem:v10+s15+$0x0], $0xffff  }
0xc7: {  	v13 =	vor.u32 $0x7, v2;
	v18 =	vadd.s32 $0xE, v2;
	v11 =	vld.idx.msk [tilespmem:v11+s15+$0x0], $0xffff;
	v7 =	vshll.u32 v7, $0x5  }
0xc8: {  	v14 =	vld.idx.msk [tilespmem:v14+s15+$0x0], $0xffff;
	v17 =	vand.u32 $0xFFFFFFF8, v4;
	v4 =	vand.u32 $0x7, v4;
	v20 =	vand.u32 $0xFFFFFFF8, v9  }
0xc9: {  	v15 =	vld.idx.msk [tilespmem:v15+s15+$0x0], $0xffff;
	v8 =	vshll.u32 v8, $0x5;
	v7 =	vadd.s32 v7, v17;
	v17 =	vadd.s32 $0xB, v2  }
0xca: {  	v16 =	vld.idx.msk [tilespmem:v16+s15+$0x0], $0xffff;
	v9 =	vand.u32 $0x7, v9;
	v8 =	vadd.s32 v8, v20;
	v4 =	vor.u32 v4, v7  }
0xcb: {  	v5 =	vld.idx.msk [tilespmem:v5+s15+$0x0], $0xffff;
	v8 =	vor.u32 v9, v8  }
0xcc: {  	v59 =	vand.u32 $0x7, v12;
	v7 =	vld.idx.msk [tilespmem:v13+s15+$0x0], $0xffff;
	v19 =	vadd.s32 $0x400, v4  }
0xcd: {  	v22 =	vand.u32 $0xFFFFFFF8, v3;
	v10 =	vshll.u32 v10, $0x5;
	v9 =	vld.idx.msk [tilespmem:v18+s15+$0x0], $0xffff;
	v21 =	vadd.s32 $0x800, v4  }
0xce: {  	v6 =	vshll.u32 v6, $0x5;
	v18 =	vand.u32 $0xFFFFFFF8, v11;
	v23 =	vadd.s32 $0x400, v8;
	v17 =	vld.idx.msk [tilespmem:v17+s15+$0x0], $0xffff  }
0xcf: {  	v11 =	vand.u32 $0x7, v11;
	v10 =	vadd.s32 v10, v18;
	v18 =	vadd.s32 $0x800, v8;
	v4 =	vld.idx.msk [tilespmem:v4+s17+$0x0], $0xffff  }
0xd0: {  	v3 =	vand.u32 $0x7, v3;
	v10 =	vor.u32 v11, v10;
	v5 =	vshll.u32 v5, $0x5;
	v25 =	vld.idx.msk [tilespmem:v8+s17+$0x0], $0xffff  }
0xd1: {  	v24 =	vadd.s32 $0x400, v10;
	v11 =	vand.u32 $0xFFFFFFF8, v7;
	v7 =	vand.u32 $0x7, v7;
	v19 =	vld.idx.msk [tilespmem:v19+s17+$0x0], $0xffff  }
0xd2: {  	v8 =	vadd.s32 $0x800, v10;
	v21 =	vld.idx.msk [tilespmem:v21+s17+$0x0], $0xffff;
	v5 =	vadd.s32 v5, v11;
	v11 =	vshll.u32 v14, $0x5  }
0xd3: {  	v14 =	vld.idx.msk [tilespmem:v23+s17+$0x0], $0xffff;
	v7 =	vor.u32 v7, v5;
	v5 =	vand.u32 $0xFFFFFFF8, v15;
	v15 =	vand.u32 $0x7, v15  }
0xd4: {  	v18 =	vld.idx.msk [tilespmem:v18+s17+$0x0], $0xffff;
	v60 =	vadd.s32 $0x400, v7;
	v26 =	vadd.s32 $0x800, v7;
	v5 =	vadd.s32 v6, v5  }
0xd5: {  	v6 =	vshll.u32 v9, $0x5;
	v9 =	vld.idx.msk [tilespmem:v10+s17+$0x0], $0xffff;
	v5 =	vor.u32 v15, v5;
	v10 =	vand.u32 $0xFFFFFFF8, v17  }
0xd6: {  	v15 =	vand.u32 $0x7, v17;
	v17 =	vld.idx.msk [tilespmem:v24+s17+$0x0], $0xffff;
	v6 =	vadd.s32 v6, v22;
	v61 =	vadd.s32 $0x400, v5  }
0xd7: {  	v10 =	vadd.s32 v11, v10;
	v27 =	vld.idx.msk [tilespmem:v8+s17+$0x0], $0xffff;
	v11 =	vand.u32 $0xFFFFFFF8, v12;
	v12 =	vadd.s32 $0x800, v5  }
0xd8: {  	v13 =	vimm.f32 $0.0e+00;
	v3 =	vor.u32 v3, v6;
	v10 =	vor.u32 v15, v10;
	v8 =	vld.idx.msk [tilespmem:v7+s17+$0x0], $0xffff  }
0xd9: {  	v16 =	vshll.u32 v16, $0x5;
	v6 =	vadd.f32 v19, v13;
	v62 =	vadd.s32 $0x800, v3;
	v15 =	vld.idx.msk [tilespmem:v60+s17+$0x0], $0xffff  }
0xda: {  	v21 =	vadd.f32 v21, v13;
	v11 =	vadd.s32 v16, v11;
	v7 =	vadd.s32 $0x400, v10;
	v19 =	vld.idx.msk [tilespmem:v26+s17+$0x0], $0xffff  }
0xdb: {  	v16 =	vadd.s32 $0x800, v10;
	v11 =	vor.u32 v59, v11;
	v6 =	vadd.f32 v14, v6;
	v63 =	vld.idx.msk [tilespmem:v61+s17+$0x0], $0xffff  }
0xdc: {  	v13 =	vadd.f32 v4, v13;
	v20 =	vadd.s32 $0x400, v11;
	v12 =	vld.idx.msk [tilespmem:v12+s17+$0x0], $0xffff  }
0xdd: {  	v14 =	vadd.f32 v17, v6;
	v17 =	vadd.s32 $0x800, v11;
	v4 =	vld.idx.msk [tilespmem:v10+s17+$0x0], $0xffff;
	v10 =	vadd.f32 v18, v21  }
0xde: {  	v13 =	vadd.f32 v25, v13;
	v6 =	vld.idx.msk [tilespmem:v62+s17+$0x0], $0xffff  }
0xdf: {  	v18 =	vadd.f32 v27, v10;
	v15 =	vadd.f32 v15, v14;
	v10 =	vld.idx.msk [tilespmem:v7+s17+$0x0], $0xffff  }
0xe0: {  	v2 =	vadd.s32 $0x10, v2;
	v14 =	vadd.f32 v9, v13;
	v9 =	vld.idx.msk [tilespmem:v16+s17+$0x0], $0xffff  }
0xe1: {  	s22 =	simm.s32 $0x0;
	v7 =	vld.idx.msk [tilespmem:v20+s17+$0x0], $0xffff;
	v16 =	vadd.f32 v19, v18;
	v13 =	vadd.f32 v63, v15;
	v15 =	vadd.s32 $0x400, v3  }
.LBB2_9:
0xe2: {  	v18 =	vor.u32 $0x1, v2;
	v19 =	vadd.s32 $0xB, v2;
	v20 =	vadd.s32 $0xF, v2;
	s22 =	sadd.s32 $0x8, s22;
	v17 =	vld.idx.msk [tilespmem:v17+s17+$0x0], $0xffff  }
0xe3: {  	v22 =	vor.u32 $0x2, v2;
	v23 =	vadd.s32 $0x8, v2;
	v24 =	vadd.s32 $0xE, v2;
	v21 =	vld.idx.msk [tilespmem:v2+s15+$0x0], $0xffff;
	p0 =	slt.u32 s22, $0x58  }
0xe4: {  	v25 =	vor.u32 $0x3, v2;
	v8 =	vadd.f32 v8, v14;
	v12 =	vadd.f32 v12, v16;
	v11 =	vld.idx.msk [tilespmem:v11+s17+$0x0], $0xffff  }
0xe5: {  	v14 =	vor.u32 $0x4, v2;
	v16 =	vadd.s32 $0xD, v2;
	v10 =	vadd.f32 v10, v13;
	v5 =	vld.idx.msk [tilespmem:v5+s17+$0x0], $0xffff  }
0xe6: {  	v13 =	vor.u32 $0x5, v2;
	v9 =	vadd.f32 v9, v12;
	v12 =	vld.idx.msk [tilespmem:v15+s17+$0x0], $0xffff  }
0xe7: {  	v15 =	vor.u32 $0x6, v2;
	v7 =	vadd.f32 v7, v10;
	v20 =	vld.idx.msk [tilespmem:v20+s15+$0x0], $0xffff  }
0xe8: {  	v10 =	vor.u32 $0x7, v2;
	v9 =	vadd.f32 v17, v9;
	v3 =	vld.idx.msk [tilespmem:v3+s17+$0x0], $0xffff  }
0xe9: {  	v17 =	vld.idx.msk [tilespmem:v18+s15+$0x0], $0xffff  }
0xea: {  	v6 =	vadd.f32 v6, v9;
	v16 =	vld.idx.msk [tilespmem:v16+s15+$0x0], $0xffff  }
0xeb: {  	v18 =	vadd.s32 $0xA, v2;
	v5 =	vadd.f32 v5, v8;
	v9 =	vld.idx.msk [tilespmem:v23+s15+$0x0], $0xffff  }
0xec: {  	v7 =	vadd.f32 v12, v7;
	v8 =	vld.idx.msk [tilespmem:v22+s15+$0x0], $0xffff;
	v22 =	vadd.s32 $0x9, v2  }
0xed: {  	v12 =	vshll.u32 v21, $0x5;
	v23 =	vadd.s32 $0xC, v2;
	v4 =	vadd.f32 v4, v5;
	v21 =	vld.idx.msk [tilespmem:v25+s15+$0x0], $0xffff  }
0xee: {  	v5 =	vld.idx.msk [tilespmem:v14+s15+$0x0], $0xffff  }
0xef: {  	v14 =	vand.u32 $0xFFFFFFF8, v17;
	v17 =	vand.u32 $0x7, v17;
	v4 =	vadd.f32 v11, v4;
	v13 =	vld.idx.msk [tilespmem:v13+s15+$0x0], $0xffff  }
0xf0: {  	v11 =	vadd.s32 v12, v14;
	v12 =	vld.idx.msk [tilespmem:v15+s15+$0x0], $0xffff  }
0xf1: {  	v11 =	vor.u32 v17, v11;
	v15 =	vand.u32 $0x7, v16;
	v3 =	vadd.f32 v3, v4;
	v10 =	vld.idx.msk [tilespmem:v10+s15+$0x0], $0xffff  }
0xf2: {  	v16 =	vand.u32 $0xFFFFFFF8, v16;
	v17 =	vand.u32 $0x7, v20;
	v4 =	vadd.s32 $0x800, v11;
	v14 =	vld.idx.msk [tilespmem:v18+s15+$0x0], $0xffff  }
0xf3: {  	v8 =	vshll.u32 v8, $0x5;
	v18 =	vadd.s32 $0x400, v11;
	v25 =	vand.u32 $0xFFFFFFF8, v21;
	v22 =	vld.idx.msk [tilespmem:v22+s15+$0x0], $0xffff  }
0xf4: {  	v20 =	vand.u32 $0xFFFFFFF8, v20;
	v21 =	vand.u32 $0x7, v21;
	v8 =	vadd.s32 v8, v25;
	v23 =	vld.idx.msk [tilespmem:v23+s15+$0x0], $0xffff  }
0xf5: {  	v5 =	vshll.u32 v5, $0x5;
	v8 =	vor.u32 v21, v8;
	v21 =	vand.u32 $0xFFFFFFF8, v13;
	v24 =	vld.idx.msk [tilespmem:v24+s15+$0x0], $0xffff  }
0xf6: {  	v9 =	vshll.u32 v9, $0x5;
	v25 =	vadd.s32 $0x400, v8;
	v5 =	vadd.s32 v5, v21;
	v11 =	vld.idx.msk [tilespmem:v11+s17+$0x0], $0xffff  }
0xf7: {  	v13 =	vand.u32 $0x7, v13;
	v21 =	vadd.s32 $0x800, v8;
	v26 =	vand.u32 $0x7, v10;
	v19 =	vld.idx.msk [tilespmem:v19+s15+$0x0], $0xffff  }
0xf8: {  	v12 =	vshll.u32 v12, $0x5;
	v5 =	vor.u32 v13, v5;
	v10 =	vand.u32 $0xFFFFFFF8, v10;
	v18 =	vld.idx.msk [tilespmem:v18+s17+$0x0], $0xffff  }
0xf9: {  	v13 =	vadd.s32 $0x400, v5;
	v10 =	vadd.s32 v12, v10;
	v12 =	vand.u32 $0xFFFFFFF8, v22;
	v4 =	vld.idx.msk [tilespmem:v4+s17+$0x0], $0xffff  }
0xfa: {  	v27 =	vadd.s32 $0x800, v5;
	v14 =	vshll.u32 v14, $0x5;
	v10 =	vor.u32 v26, v10;
	v8 =	vld.idx.msk [tilespmem:v8+s17+$0x0], $0xffff  }
0xfb: {  	v22 =	vand.u32 $0x7, v22;
	v26 =	vadd.s32 $0x400, v10;
	v24 =	vshll.u32 v24, $0x5;
	v25 =	vld.idx.msk [tilespmem:v25+s17+$0x0], $0xffff  }
0xfc: {  	v9 =	vadd.s32 v9, v12;
	v3 =	vadd.f32 v11, v3;
	v11 =	vld.idx.msk [tilespmem:v21+s17+$0x0], $0xffff;
	v21 =	vadd.s32 $0x800, v10  }
0xfd: {  	v12 =	vld.idx.msk [tilespmem:v5+s17+$0x0], $0xffff;
	v5 =	vor.u32 v22, v9;
	v9 =	vand.u32 $0xFFFFFFF8, v19;
	v19 =	vand.u32 $0x7, v19  }
0xfe: {  	v7 =	vadd.f32 v18, v7;
	v13 =	vld.idx.msk [tilespmem:v13+s17+$0x0], $0xffff;
	v18 =	vadd.s32 $0x400, v5;
	v9 =	vadd.s32 v14, v9  }
0xff: {  	v4 =	vadd.f32 v4, v6;
	v14 =	vadd.s32 v24, v20;
	v6 =	vld.idx.msk [tilespmem:v27+s17+$0x0], $0xffff;
	v9 =	vor.u32 v19, v9  }
0x100: {  	v22 =	vadd.s32 $0x800, v5;
	v19 =	vadd.f32 v8, v3;
	v3 =	vor.u32 v17, v14;
	v20 =	vld.idx.msk [tilespmem:v26+s17+$0x0], $0xffff  }
0x101: {  	v14 =	vshll.u32 v23, $0x5;
	v7 =	vadd.f32 v25, v7;
	v23 =	vadd.s32 $0x800, v3;
	v21 =	vld.idx.msk [tilespmem:v21+s17+$0x0], $0xffff  }
0x102: {  	v17 =	vadd.f32 v11, v4;
	v4 =	vadd.s32 v14, v16;
	v8 =	vld.idx.msk [tilespmem:v10+s17+$0x0], $0xffff;
	v10 =	vadd.s32 $0x400, v9  }
0x103: {  	v14 =	vadd.f32 v12, v19;
	v19 =	vadd.s32 $0x800, v9;
	v11 =	vor.u32 v15, v4;
	v18 =	vld.idx.msk [tilespmem:v18+s17+$0x0], $0xffff  }
0x104: {  	v7 =	vadd.f32 v13, v7;
	v15 =	vadd.s32 $0x400, v11;
	v4 =	vld.idx.msk [tilespmem:v9+s17+$0x0], $0xffff  }
.Ltmp3:
0x105: {  	v9 =	vadd.f32 v6, v17;
	v17 =	vadd.s32 $0x800, v11;
	v12 =	vld.idx.msk [tilespmem:v22+s17+$0x0], $0xffff;
	(pc) =	sbr.rel @p0 .LBB2_9-.Ltmp3, $4  }
0x106: {  	v2 =	vadd.s32 $0x10, v2;
	v7 =	vadd.f32 v20, v7;
	v6 =	vld.idx.msk [tilespmem:v23+s17+$0x0], $0xffff  }
0x107: {  	v16 =	vadd.f32 v21, v9;
	v10 =	vld.idx.msk [tilespmem:v10+s17+$0x0], $0xffff  }
0x108: {  	v9 =	vld.idx.msk [tilespmem:v19+s17+$0x0], $0xffff  }
0x109: {  	v13 =	vadd.f32 v18, v7;
	v7 =	vld.idx.msk [tilespmem:v15+s17+$0x0], $0xffff;
	v15 =	vadd.s32 $0x400, v3  }
0x10a: {  	v18 =	vor.u32 $0x1, v2  }
0x10b: {  	v19 =	vor.u32 $0x2, v2  }
0x10c: {  	v20 =	vor.u32 $0x3, v2;
	_ =	sdelay $0x1  }
0x10d: {  	v21 =	vld.idx.msk [tilespmem:v2+s15+$0x0], $0xffff  }
0x10e: {  	v22 =	vor.u32 $0x4, v2;
	v18 =	vld.idx.msk [tilespmem:v18+s15+$0x0], $0xffff  }
0x10f: {  	v23 =	vor.u32 $0x5, v2;
	v19 =	vld.idx.msk [tilespmem:v19+s15+$0x0], $0xffff  }
0x110: {  	v24 =	vor.u32 $0x6, v2;
	v2 =	vor.u32 $0x7, v2;
	v20 =	vld.idx.msk [tilespmem:v20+s15+$0x0], $0xffff;
	_ =	sdelay $0x1  }
0x111: {  	v5 =	vld.idx.msk [tilespmem:v5+s17+$0x0], $0xffff  }
0x112: {  	v8 =	vadd.f32 v8, v14;
	v22 =	vld.idx.msk [tilespmem:v22+s15+$0x0], $0xffff  }
0x113: {  	v21 =	vshll.u32 v21, $0x5;
	v23 =	vld.idx.msk [tilespmem:v23+s15+$0x0], $0xffff;
	v25 =	vand.u32 $0xFFFFFFF8, v18;
	v18 =	vand.u32 $0x7, v18  }
0x114: {  	v2 =	vld.idx.msk [tilespmem:v2+s15+$0x0], $0xffff;
	v38 =	vand.u32 $0xFFFFFFF8, v20;
	v19 =	vshll.u32 v19, $0x5;
	v21 =	vadd.s32 v21, v25  }
0x115: {  	v24 =	vld.idx.msk [tilespmem:v24+s15+$0x0], $0xffff;
	v20 =	vand.u32 $0x7, v20;
	v19 =	vadd.s32 v19, v38;
	v37 =	vor.u32 v18, v21  }
0x116: {  	v17 =	vld.idx.msk [tilespmem:v17+s17+$0x0], $0xffff;
	v40 =	vor.u32 v20, v19  }
0x117: {  	v11 =	vld.idx.msk [tilespmem:v11+s17+$0x0], $0xffff;
	v5 =	vadd.f32 v5, v8;
	v18 =	vadd.s32 $0x400, v37  }
0x118: {  	v15 =	vld.idx.msk [tilespmem:v15+s17+$0x0], $0xffff;
	v42 =	vand.u32 $0xFFFFFFF8, v23;
	v43 =	vshll.u32 v22, $0x5;
	v39 =	vadd.s32 $0x800, v37  }
0x119: {  	v3 =	vld.idx.msk [tilespmem:v3+s17+$0x0], $0xffff;
	v45 =	vand.u32 $0x7, v23;
	v49 =	vand.u32 $0xFFFFFFF8, v2;
	v41 =	vadd.s32 $0x400, v40  }
0x11a: {  	v50 =	vshll.u32 v24, $0x5;
	v19 =	vadd.s32 v43, v42;
	v44 =	vadd.s32 $0x800, v40;
	v14 =	vld.idx.msk [tilespmem:v37+s17+$0x0], $0xffff  }
0x11b: {  	v2 =	vand.u32 $0x7, v2;
	v21 =	vadd.s32 v50, v49;
	v47 =	vor.u32 v45, v19;
	v8 =	vld.idx.msk [tilespmem:v40+s17+$0x0], $0xffff  }
0x11c: {  	v12 =	vadd.f32 v12, v16;
	v4 =	vadd.f32 v4, v5;
	v2 =	vor.u32 v2, v21;
	v46 =	vld.idx.msk [tilespmem:v18+s17+$0x0], $0xffff  }
0x11d: {  	v10 =	vadd.f32 v10, v13;
	v19 =	vadd.s32 $0x400, v47;
	v48 =	vld.idx.msk [tilespmem:v39+s17+$0x0], $0xffff  }
0x11e: {  	v9 =	vadd.f32 v9, v12;
	v4 =	vadd.f32 v11, v4;
	v51 =	vadd.s32 $0x800, v47;
	v52 =	vld.idx.msk [tilespmem:v41+s17+$0x0], $0xffff  }
0x11f: {  	v7 =	vadd.f32 v7, v10;
	v54 =	vadd.s32 $0x400, v2;
	v53 =	vld.idx.msk [tilespmem:v44+s17+$0x0], $0xffff  }
0x120: {  	v9 =	vadd.f32 v17, v9;
	v3 =	vadd.f32 v3, v4;
	v56 =	vadd.s32 $0x800, v2;
	v55 =	vld.idx.msk [tilespmem:v47+s17+$0x0], $0xffff  }
0x121: {  	v7 =	vadd.f32 v15, v7;
	v2 =	vld.idx.msk [tilespmem:v2+s17+$0x0], $0xffff  }
0x122: {  	v6 =	vadd.f32 v6, v9;
	v57 =	vld.idx.msk [tilespmem:v19+s17+$0x0], $0xffff;
	v3 =	vadd.f32 v14, v3  }
0x123: {  	v58 =	vld.idx.msk [tilespmem:v51+s17+$0x0], $0xffff;
	v5 =	vadd.f32 v46, v7  }
0x124: {  	v59 =	vld.idx.msk [tilespmem:v54+s17+$0x0], $0xffff;
	v6 =	vadd.f32 v48, v6;
	v3 =	vadd.f32 v8, v3  }
0x125: {  	v1 =	vshll.u32 v1, $0x3;
	v60 =	vld.idx.msk [tilespmem:v56+s17+$0x0], $0xffff;
	v5 =	vadd.f32 v52, v5  }
0x126: {  	s21 =	sadd.s32 $0x1, s21;
	v61 =	vor.u32 $0x1, v1;
	v6 =	vadd.f32 v53, v6;
	v3 =	vadd.f32 v55, v3  }
0x127: {  	v62 =	vor.u32 $0x2, v1;
	p0 =	sne.s32 s21, $0x8;
	v5 =	vadd.f32 v57, v5  }
.Ltmp4:
0x128: {  	v6 =	vadd.f32 v58, v6;
	v2 =	vadd.f32 v2, v3;
	(pc) =	sbr.rel @p0 .LBB2_8-.Ltmp4, $4  }
0x129: {  	v3 =	vadd.f32 v59, v5  }
0x12a: {  	v63 =	vadd.f32 v60, v6;
	[tilespmem:v1+s18+$0x0] =	vst.idx.msk $0xffff, v2  }
0x12b: {  	[tilespmem:v61+s18+$0x0] =	vst.idx.msk $0xffff, v3  }
0x12c: {  	[tilespmem:v62+s18+$0x0] =	vst.idx.msk $0xffff, v63  }
0x12d: {  	s21 =	simm.s32 $0x0  }
0x12e: {  	[hbm4b:s8+s21] =	stream.linear.scatter [tilespmem:s18], [sflag:$0x3], $0x400, $0x38;
	[tilespmem:$0xDC00] =	vst v63  }
0x12f: {  	_ =	swait.ge [sflag:s14], $0x400  }
0x130: {  	[sflag:s14] =	ssyncset.done $0x0  }
0x131: {  	[sflag:s14] =	ssyncadd.s32 $0xFFFFFC00  }
0x132: {  	[tilespmem:s15], [sflag:$0x2] =	stream.linear.gather [hbm4b:s9+s21], $0x6400, $0x38;
	[tilespmem:$0xDC00] =	vst v63  }
0x133: {  	_ =	swait.ge [sflag:s16], $0x6400  }
0x134: {  	[sflag:s16] =	ssyncset.done $0x0  }
0x135: {  	[sflag:s16] =	ssyncadd.s32 $0xFFFF9C00  }
.LBB2_12:
0x136: {  	s22 =	sshll.u32 s21, $0x4  }
0x137: {  	v1 =	vor.u32 s22, v0  }
0x138: {  	v2 =	vmul.u32 $0xC8, v1;
	_ =	sdelay $0x1  }
0x139: {  	v3 =	vadd.s32 $0xF, v2  }
0x13a: {  	v4 =	vor.u32 $0x1, v2  }
0x13b: {  	v5 =	vadd.s32 $0xD, v2  }
0x13c: {  	v9 =	vor.u32 $0x3, v2  }
0x13d: {  	v8 =	vor.u32 $0x2, v2;
	v7 =	vld.idx.msk [tilespmem:v2+s3+$0x0], $0xffff  }
0x13e: {  	v6 =	vadd.s32 $0x8, v2;
	v3 =	vld.idx.msk [tilespmem:v3+s3+$0x0], $0xffff  }
0x13f: {  	v10 =	vor.u32 $0x4, v2;
	v4 =	vld.idx.msk [tilespmem:v4+s3+$0x0], $0xffff  }
0x140: {  	v11 =	vor.u32 $0x5, v2;
	v12 =	vld.idx.msk [tilespmem:v5+s3+$0x0], $0xffff  }
0x141: {  	v14 =	vadd.s32 $0xA, v2;
	v9 =	vld.idx.msk [tilespmem:v9+s3+$0x0], $0xffff  }
0x142: {  	v15 =	vadd.s32 $0x9, v2;
	v8 =	vld.idx.msk [tilespmem:v8+s3+$0x0], $0xffff  }
0x143: {  	v16 =	vadd.s32 $0xC, v2;
	v6 =	vld.idx.msk [tilespmem:v6+s3+$0x0], $0xffff  }
0x144: {  	v5 =	vor.u32 $0x6, v2;
	v10 =	vld.idx.msk [tilespmem:v10+s3+$0x0], $0xffff  }
0x145: {  	v13 =	vor.u32 $0x7, v2;
	v18 =	vadd.s32 $0xE, v2;
	v11 =	vld.idx.msk [tilespmem:v11+s3+$0x0], $0xffff;
	v7 =	vshll.u32 v7, $0x5  }
0x146: {  	v14 =	vld.idx.msk [tilespmem:v14+s3+$0x0], $0xffff;
	v17 =	vand.u32 $0xFFFFFFF8, v4;
	v4 =	vand.u32 $0x7, v4;
	v20 =	vand.u32 $0xFFFFFFF8, v9  }
0x147: {  	v15 =	vld.idx.msk [tilespmem:v15+s3+$0x0], $0xffff;
	v8 =	vshll.u32 v8, $0x5;
	v7 =	vadd.s32 v7, v17;
	v17 =	vadd.s32 $0xB, v2  }
0x148: {  	v16 =	vld.idx.msk [tilespmem:v16+s3+$0x0], $0xffff;
	v9 =	vand.u32 $0x7, v9;
	v8 =	vadd.s32 v8, v20;
	v4 =	vor.u32 v4, v7  }
0x149: {  	v5 =	vld.idx.msk [tilespmem:v5+s3+$0x0], $0xffff;
	v8 =	vor.u32 v9, v8  }
0x14a: {  	v59 =	vand.u32 $0x7, v12;
	v7 =	vld.idx.msk [tilespmem:v13+s3+$0x0], $0xffff;
	v19 =	vadd.s32 $0x400, v4  }
0x14b: {  	v22 =	vand.u32 $0xFFFFFFF8, v3;
	v10 =	vshll.u32 v10, $0x5;
	v9 =	vld.idx.msk [tilespmem:v18+s3+$0x0], $0xffff;
	v21 =	vadd.s32 $0x800, v4  }
0x14c: {  	v6 =	vshll.u32 v6, $0x5;
	v18 =	vand.u32 $0xFFFFFFF8, v11;
	v23 =	vadd.s32 $0x400, v8;
	v17 =	vld.idx.msk [tilespmem:v17+s3+$0x0], $0xffff  }
0x14d: {  	v11 =	vand.u32 $0x7, v11;
	v10 =	vadd.s32 v10, v18;
	v18 =	vadd.s32 $0x800, v8;
	v4 =	vld.idx.msk [tilespmem:v4+s17+$0x0], $0xffff  }
0x14e: {  	v3 =	vand.u32 $0x7, v3;
	v10 =	vor.u32 v11, v10;
	v5 =	vshll.u32 v5, $0x5;
	v25 =	vld.idx.msk [tilespmem:v8+s17+$0x0], $0xffff  }
0x14f: {  	v24 =	vadd.s32 $0x400, v10;
	v11 =	vand.u32 $0xFFFFFFF8, v7;
	v7 =	vand.u32 $0x7, v7;
	v19 =	vld.idx.msk [tilespmem:v19+s17+$0x0], $0xffff  }
0x150: {  	v8 =	vadd.s32 $0x800, v10;
	v21 =	vld.idx.msk [tilespmem:v21+s17+$0x0], $0xffff;
	v5 =	vadd.s32 v5, v11;
	v11 =	vshll.u32 v14, $0x5  }
0x151: {  	v14 =	vld.idx.msk [tilespmem:v23+s17+$0x0], $0xffff;
	v7 =	vor.u32 v7, v5;
	v5 =	vand.u32 $0xFFFFFFF8, v15;
	v15 =	vand.u32 $0x7, v15  }
0x152: {  	v18 =	vld.idx.msk [tilespmem:v18+s17+$0x0], $0xffff;
	v60 =	vadd.s32 $0x400, v7;
	v26 =	vadd.s32 $0x800, v7;
	v5 =	vadd.s32 v6, v5  }
0x153: {  	v6 =	vshll.u32 v9, $0x5;
	v9 =	vld.idx.msk [tilespmem:v10+s17+$0x0], $0xffff;
	v5 =	vor.u32 v15, v5;
	v10 =	vand.u32 $0xFFFFFFF8, v17  }
0x154: {  	v15 =	vand.u32 $0x7, v17;
	v17 =	vld.idx.msk [tilespmem:v24+s17+$0x0], $0xffff;
	v6 =	vadd.s32 v6, v22;
	v61 =	vadd.s32 $0x400, v5  }
0x155: {  	v10 =	vadd.s32 v11, v10;
	v27 =	vld.idx.msk [tilespmem:v8+s17+$0x0], $0xffff;
	v11 =	vand.u32 $0xFFFFFFF8, v12;
	v12 =	vadd.s32 $0x800, v5  }
0x156: {  	v13 =	vimm.f32 $0.0e+00;
	v3 =	vor.u32 v3, v6;
	v10 =	vor.u32 v15, v10;
	v8 =	vld.idx.msk [tilespmem:v7+s17+$0x0], $0xffff  }
0x157: {  	v16 =	vshll.u32 v16, $0x5;
	v6 =	vadd.f32 v19, v13;
	v62 =	vadd.s32 $0x800, v3;
	v15 =	vld.idx.msk [tilespmem:v60+s17+$0x0], $0xffff  }
0x158: {  	v21 =	vadd.f32 v21, v13;
	v11 =	vadd.s32 v16, v11;
	v7 =	vadd.s32 $0x400, v10;
	v19 =	vld.idx.msk [tilespmem:v26+s17+$0x0], $0xffff  }
0x159: {  	v16 =	vadd.s32 $0x800, v10;
	v11 =	vor.u32 v59, v11;
	v6 =	vadd.f32 v14, v6;
	v63 =	vld.idx.msk [tilespmem:v61+s17+$0x0], $0xffff  }
0x15a: {  	v13 =	vadd.f32 v4, v13;
	v20 =	vadd.s32 $0x400, v11;
	v12 =	vld.idx.msk [tilespmem:v12+s17+$0x0], $0xffff  }
0x15b: {  	v14 =	vadd.f32 v17, v6;
	v17 =	vadd.s32 $0x800, v11;
	v4 =	vld.idx.msk [tilespmem:v10+s17+$0x0], $0xffff;
	v10 =	vadd.f32 v18, v21  }
0x15c: {  	v13 =	vadd.f32 v25, v13;
	v6 =	vld.idx.msk [tilespmem:v62+s17+$0x0], $0xffff  }
0x15d: {  	v18 =	vadd.f32 v27, v10;
	v15 =	vadd.f32 v15, v14;
	v10 =	vld.idx.msk [tilespmem:v7+s17+$0x0], $0xffff  }
0x15e: {  	v2 =	vadd.s32 $0x10, v2;
	v14 =	vadd.f32 v9, v13;
	v9 =	vld.idx.msk [tilespmem:v16+s17+$0x0], $0xffff  }
0x15f: {  	s22 =	simm.s32 $0x0;
	v7 =	vld.idx.msk [tilespmem:v20+s17+$0x0], $0xffff;
	v16 =	vadd.f32 v19, v18;
	v13 =	vadd.f32 v63, v15;
	v15 =	vadd.s32 $0x400, v3  }
.LBB2_13:
0x160: {  	v18 =	vor.u32 $0x1, v2;
	v19 =	vadd.s32 $0xB, v2;
	v20 =	vadd.s32 $0xF, v2;
	s22 =	sadd.s32 $0x8, s22;
	v17 =	vld.idx.msk [tilespmem:v17+s17+$0x0], $0xffff  }
0x161: {  	v22 =	vor.u32 $0x2, v2;
	v23 =	vadd.s32 $0x8, v2;
	v24 =	vadd.s32 $0xE, v2;
	v21 =	vld.idx.msk [tilespmem:v2+s3+$0x0], $0xffff;
	p0 =	slt.u32 s22, $0x58  }
0x162: {  	v25 =	vor.u32 $0x3, v2;
	v8 =	vadd.f32 v8, v14;
	v12 =	vadd.f32 v12, v16;
	v11 =	vld.idx.msk [tilespmem:v11+s17+$0x0], $0xffff  }
0x163: {  	v14 =	vor.u32 $0x4, v2;
	v16 =	vadd.s32 $0xD, v2;
	v10 =	vadd.f32 v10, v13;
	v5 =	vld.idx.msk [tilespmem:v5+s17+$0x0], $0xffff  }
0x164: {  	v13 =	vor.u32 $0x5, v2;
	v9 =	vadd.f32 v9, v12;
	v12 =	vld.idx.msk [tilespmem:v15+s17+$0x0], $0xffff  }
0x165: {  	v15 =	vor.u32 $0x6, v2;
	v7 =	vadd.f32 v7, v10;
	v20 =	vld.idx.msk [tilespmem:v20+s3+$0x0], $0xffff  }
0x166: {  	v10 =	vor.u32 $0x7, v2;
	v9 =	vadd.f32 v17, v9;
	v3 =	vld.idx.msk [tilespmem:v3+s17+$0x0], $0xffff  }
0x167: {  	v17 =	vld.idx.msk [tilespmem:v18+s3+$0x0], $0xffff  }
0x168: {  	v6 =	vadd.f32 v6, v9;
	v16 =	vld.idx.msk [tilespmem:v16+s3+$0x0], $0xffff  }
0x169: {  	v18 =	vadd.s32 $0xA, v2;
	v5 =	vadd.f32 v5, v8;
	v9 =	vld.idx.msk [tilespmem:v23+s3+$0x0], $0xffff  }
0x16a: {  	v7 =	vadd.f32 v12, v7;
	v8 =	vld.idx.msk [tilespmem:v22+s3+$0x0], $0xffff;
	v22 =	vadd.s32 $0x9, v2  }
0x16b: {  	v12 =	vshll.u32 v21, $0x5;
	v23 =	vadd.s32 $0xC, v2;
	v4 =	vadd.f32 v4, v5;
	v21 =	vld.idx.msk [tilespmem:v25+s3+$0x0], $0xffff  }
0x16c: {  	v5 =	vld.idx.msk [tilespmem:v14+s3+$0x0], $0xffff  }
0x16d: {  	v14 =	vand.u32 $0xFFFFFFF8, v17;
	v17 =	vand.u32 $0x7, v17;
	v4 =	vadd.f32 v11, v4;
	v13 =	vld.idx.msk [tilespmem:v13+s3+$0x0], $0xffff  }
0x16e: {  	v11 =	vadd.s32 v12, v14;
	v12 =	vld.idx.msk [tilespmem:v15+s3+$0x0], $0xffff  }
0x16f: {  	v11 =	vor.u32 v17, v11;
	v15 =	vand.u32 $0x7, v16;
	v3 =	vadd.f32 v3, v4;
	v10 =	vld.idx.msk [tilespmem:v10+s3+$0x0], $0xffff  }
0x170: {  	v16 =	vand.u32 $0xFFFFFFF8, v16;
	v17 =	vand.u32 $0x7, v20;
	v4 =	vadd.s32 $0x800, v11;
	v14 =	vld.idx.msk [tilespmem:v18+s3+$0x0], $0xffff  }
0x171: {  	v8 =	vshll.u32 v8, $0x5;
	v18 =	vadd.s32 $0x400, v11;
	v25 =	vand.u32 $0xFFFFFFF8, v21;
	v22 =	vld.idx.msk [tilespmem:v22+s3+$0x0], $0xffff  }
0x172: {  	v20 =	vand.u32 $0xFFFFFFF8, v20;
	v21 =	vand.u32 $0x7, v21;
	v8 =	vadd.s32 v8, v25;
	v23 =	vld.idx.msk [tilespmem:v23+s3+$0x0], $0xffff  }
0x173: {  	v5 =	vshll.u32 v5, $0x5;
	v8 =	vor.u32 v21, v8;
	v21 =	vand.u32 $0xFFFFFFF8, v13;
	v24 =	vld.idx.msk [tilespmem:v24+s3+$0x0], $0xffff  }
0x174: {  	v9 =	vshll.u32 v9, $0x5;
	v25 =	vadd.s32 $0x400, v8;
	v5 =	vadd.s32 v5, v21;
	v11 =	vld.idx.msk [tilespmem:v11+s17+$0x0], $0xffff  }
0x175: {  	v13 =	vand.u32 $0x7, v13;
	v21 =	vadd.s32 $0x800, v8;
	v26 =	vand.u32 $0x7, v10;
	v19 =	vld.idx.msk [tilespmem:v19+s3+$0x0], $0xffff  }
0x176: {  	v12 =	vshll.u32 v12, $0x5;
	v5 =	vor.u32 v13, v5;
	v10 =	vand.u32 $0xFFFFFFF8, v10;
	v18 =	vld.idx.msk [tilespmem:v18+s17+$0x0], $0xffff  }
0x177: {  	v13 =	vadd.s32 $0x400, v5;
	v10 =	vadd.s32 v12, v10;
	v12 =	vand.u32 $0xFFFFFFF8, v22;
	v4 =	vld.idx.msk [tilespmem:v4+s17+$0x0], $0xffff  }
0x178: {  	v27 =	vadd.s32 $0x800, v5;
	v14 =	vshll.u32 v14, $0x5;
	v10 =	vor.u32 v26, v10;
	v8 =	vld.idx.msk [tilespmem:v8+s17+$0x0], $0xffff  }
0x179: {  	v22 =	vand.u32 $0x7, v22;
	v26 =	vadd.s32 $0x400, v10;
	v24 =	vshll.u32 v24, $0x5;
	v25 =	vld.idx.msk [tilespmem:v25+s17+$0x0], $0xffff  }
0x17a: {  	v9 =	vadd.s32 v9, v12;
	v3 =	vadd.f32 v11, v3;
	v11 =	vld.idx.msk [tilespmem:v21+s17+$0x0], $0xffff;
	v21 =	vadd.s32 $0x800, v10  }
0x17b: {  	v12 =	vld.idx.msk [tilespmem:v5+s17+$0x0], $0xffff;
	v5 =	vor.u32 v22, v9;
	v9 =	vand.u32 $0xFFFFFFF8, v19;
	v19 =	vand.u32 $0x7, v19  }
0x17c: {  	v7 =	vadd.f32 v18, v7;
	v13 =	vld.idx.msk [tilespmem:v13+s17+$0x0], $0xffff;
	v18 =	vadd.s32 $0x400, v5;
	v9 =	vadd.s32 v14, v9  }
0x17d: {  	v4 =	vadd.f32 v4, v6;
	v14 =	vadd.s32 v24, v20;
	v6 =	vld.idx.msk [tilespmem:v27+s17+$0x0], $0xffff;
	v9 =	vor.u32 v19, v9  }
0x17e: {  	v22 =	vadd.s32 $0x800, v5;
	v19 =	vadd.f32 v8, v3;
	v3 =	vor.u32 v17, v14;
	v20 =	vld.idx.msk [tilespmem:v26+s17+$0x0], $0xffff  }
0x17f: {  	v14 =	vshll.u32 v23, $0x5;
	v7 =	vadd.f32 v25, v7;
	v23 =	vadd.s32 $0x800, v3;
	v21 =	vld.idx.msk [tilespmem:v21+s17+$0x0], $0xffff  }
0x180: {  	v17 =	vadd.f32 v11, v4;
	v4 =	vadd.s32 v14, v16;
	v8 =	vld.idx.msk [tilespmem:v10+s17+$0x0], $0xffff;
	v10 =	vadd.s32 $0x400, v9  }
0x181: {  	v14 =	vadd.f32 v12, v19;
	v19 =	vadd.s32 $0x800, v9;
	v11 =	vor.u32 v15, v4;
	v18 =	vld.idx.msk [tilespmem:v18+s17+$0x0], $0xffff  }
0x182: {  	v7 =	vadd.f32 v13, v7;
	v15 =	vadd.s32 $0x400, v11;
	v4 =	vld.idx.msk [tilespmem:v9+s17+$0x0], $0xffff  }
.Ltmp5:
0x183: {  	v9 =	vadd.f32 v6, v17;
	v17 =	vadd.s32 $0x800, v11;
	v12 =	vld.idx.msk [tilespmem:v22+s17+$0x0], $0xffff;
	(pc) =	sbr.rel @p0 .LBB2_13-.Ltmp5, $4  }
0x184: {  	v2 =	vadd.s32 $0x10, v2;
	v7 =	vadd.f32 v20, v7;
	v6 =	vld.idx.msk [tilespmem:v23+s17+$0x0], $0xffff  }
0x185: {  	v16 =	vadd.f32 v21, v9;
	v10 =	vld.idx.msk [tilespmem:v10+s17+$0x0], $0xffff  }
0x186: {  	v9 =	vld.idx.msk [tilespmem:v19+s17+$0x0], $0xffff  }
0x187: {  	v13 =	vadd.f32 v18, v7;
	v7 =	vld.idx.msk [tilespmem:v15+s17+$0x0], $0xffff;
	v15 =	vadd.s32 $0x400, v3  }
0x188: {  	v18 =	vor.u32 $0x1, v2  }
0x189: {  	v19 =	vor.u32 $0x2, v2  }
0x18a: {  	v20 =	vor.u32 $0x3, v2;
	_ =	sdelay $0x1  }
0x18b: {  	v21 =	vld.idx.msk [tilespmem:v2+s3+$0x0], $0xffff  }
0x18c: {  	v22 =	vor.u32 $0x4, v2;
	v18 =	vld.idx.msk [tilespmem:v18+s3+$0x0], $0xffff  }
0x18d: {  	v23 =	vor.u32 $0x5, v2;
	v19 =	vld.idx.msk [tilespmem:v19+s3+$0x0], $0xffff  }
0x18e: {  	v24 =	vor.u32 $0x6, v2;
	v2 =	vor.u32 $0x7, v2;
	v20 =	vld.idx.msk [tilespmem:v20+s3+$0x0], $0xffff;
	_ =	sdelay $0x1  }
0x18f: {  	v5 =	vld.idx.msk [tilespmem:v5+s17+$0x0], $0xffff  }
0x190: {  	v8 =	vadd.f32 v8, v14;
	v22 =	vld.idx.msk [tilespmem:v22+s3+$0x0], $0xffff  }
0x191: {  	v21 =	vshll.u32 v21, $0x5;
	v23 =	vld.idx.msk [tilespmem:v23+s3+$0x0], $0xffff;
	v25 =	vand.u32 $0xFFFFFFF8, v18;
	v18 =	vand.u32 $0x7, v18  }
0x192: {  	v2 =	vld.idx.msk [tilespmem:v2+s3+$0x0], $0xffff;
	v38 =	vand.u32 $0xFFFFFFF8, v20;
	v19 =	vshll.u32 v19, $0x5;
	v21 =	vadd.s32 v21, v25  }
0x193: {  	v24 =	vld.idx.msk [tilespmem:v24+s3+$0x0], $0xffff;
	v20 =	vand.u32 $0x7, v20;
	v19 =	vadd.s32 v19, v38;
	v37 =	vor.u32 v18, v21  }
0x194: {  	v17 =	vld.idx.msk [tilespmem:v17+s17+$0x0], $0xffff;
	v40 =	vor.u32 v20, v19  }
0x195: {  	v11 =	vld.idx.msk [tilespmem:v11+s17+$0x0], $0xffff;
	v5 =	vadd.f32 v5, v8;
	v18 =	vadd.s32 $0x400, v37  }
0x196: {  	v15 =	vld.idx.msk [tilespmem:v15+s17+$0x0], $0xffff;
	v42 =	vand.u32 $0xFFFFFFF8, v23;
	v43 =	vshll.u32 v22, $0x5;
	v39 =	vadd.s32 $0x800, v37  }
0x197: {  	v3 =	vld.idx.msk [tilespmem:v3+s17+$0x0], $0xffff;
	v45 =	vand.u32 $0x7, v23;
	v49 =	vand.u32 $0xFFFFFFF8, v2;
	v41 =	vadd.s32 $0x400, v40  }
0x198: {  	v50 =	vshll.u32 v24, $0x5;
	v19 =	vadd.s32 v43, v42;
	v44 =	vadd.s32 $0x800, v40;
	v14 =	vld.idx.msk [tilespmem:v37+s17+$0x0], $0xffff  }
0x199: {  	v2 =	vand.u32 $0x7, v2;
	v21 =	vadd.s32 v50, v49;
	v47 =	vor.u32 v45, v19;
	v8 =	vld.idx.msk [tilespmem:v40+s17+$0x0], $0xffff  }
0x19a: {  	v12 =	vadd.f32 v12, v16;
	v4 =	vadd.f32 v4, v5;
	v2 =	vor.u32 v2, v21;
	v46 =	vld.idx.msk [tilespmem:v18+s17+$0x0], $0xffff  }
0x19b: {  	v10 =	vadd.f32 v10, v13;
	v19 =	vadd.s32 $0x400, v47;
	v48 =	vld.idx.msk [tilespmem:v39+s17+$0x0], $0xffff  }
0x19c: {  	v9 =	vadd.f32 v9, v12;
	v4 =	vadd.f32 v11, v4;
	v51 =	vadd.s32 $0x800, v47;
	v52 =	vld.idx.msk [tilespmem:v41+s17+$0x0], $0xffff  }
0x19d: {  	v7 =	vadd.f32 v7, v10;
	v54 =	vadd.s32 $0x400, v2;
	v53 =	vld.idx.msk [tilespmem:v44+s17+$0x0], $0xffff  }
0x19e: {  	v9 =	vadd.f32 v17, v9;
	v3 =	vadd.f32 v3, v4;
	v56 =	vadd.s32 $0x800, v2;
	v55 =	vld.idx.msk [tilespmem:v47+s17+$0x0], $0xffff  }
0x19f: {  	v7 =	vadd.f32 v15, v7;
	v2 =	vld.idx.msk [tilespmem:v2+s17+$0x0], $0xffff  }
0x1a0: {  	v6 =	vadd.f32 v6, v9;
	v57 =	vld.idx.msk [tilespmem:v19+s17+$0x0], $0xffff;
	v3 =	vadd.f32 v14, v3  }
0x1a1: {  	v58 =	vld.idx.msk [tilespmem:v51+s17+$0x0], $0xffff;
	v5 =	vadd.f32 v46, v7  }
0x1a2: {  	v59 =	vld.idx.msk [tilespmem:v54+s17+$0x0], $0xffff;
	v6 =	vadd.f32 v48, v6;
	v3 =	vadd.f32 v8, v3  }
0x1a3: {  	v1 =	vshll.u32 v1, $0x3;
	v60 =	vld.idx.msk [tilespmem:v56+s17+$0x0], $0xffff;
	v5 =	vadd.f32 v52, v5  }
0x1a4: {  	s21 =	sadd.s32 $0x1, s21;
	v61 =	vor.u32 $0x1, v1;
	v6 =	vadd.f32 v53, v6;
	v3 =	vadd.f32 v55, v3  }
0x1a5: {  	v62 =	vor.u32 $0x2, v1;
	p0 =	sne.s32 s21, $0x8;
	v5 =	vadd.f32 v57, v5  }
.Ltmp6:
0x1a6: {  	v6 =	vadd.f32 v58, v6;
	v2 =	vadd.f32 v2, v3;
	(pc) =	sbr.rel @p0 .LBB2_12-.Ltmp6, $4  }
0x1a7: {  	v3 =	vadd.f32 v59, v5  }
0x1a8: {  	v63 =	vadd.f32 v60, v6;
	[tilespmem:v1+s18+$0x0] =	vst.idx.msk $0xffff, v2  }
0x1a9: {  	[tilespmem:v61+s18+$0x0] =	vst.idx.msk $0xffff, v3  }
0x1aa: {  	[tilespmem:v62+s18+$0x0] =	vst.idx.msk $0xffff, v63  }
0x1ab: {  	s21 =	simm.s32 $0x0  }
0x1ac: {  	[hbm4b:s10+s21] =	stream.linear.scatter [tilespmem:s18], [sflag:$0x3], $0x400, $0x38;
	[tilespmem:$0xDC00] =	vst v63  }
0x1ad: {  	_ =	swait.ge [sflag:s14], $0x400  }
0x1ae: {  	[sflag:s14] =	ssyncset.done $0x0  }
0x1af: {  	[sflag:s14] =	ssyncadd.s32 $0xFFFFFC00  }
0x1b0: {  	_ =	swait.ge [sflag:s19], $0x6400  }
0x1b1: {  	[sflag:s19] =	ssyncset.done $0x0  }
0x1b2: {  	[sflag:s19] =	ssyncadd.s32 $0xFFFF9C00  }
.LBB2_16:
0x1b3: {  	s22 =	sshll.u32 s21, $0x4  }
0x1b4: {  	v1 =	vor.u32 s22, v0  }
0x1b5: {  	v2 =	vmul.u32 $0xC8, v1;
	_ =	sdelay $0x1  }
0x1b6: {  	v3 =	vadd.s32 $0xF, v2  }
0x1b7: {  	v4 =	vor.u32 $0x1, v2  }
0x1b8: {  	v5 =	vadd.s32 $0xD, v2  }
0x1b9: {  	v9 =	vor.u32 $0x3, v2  }
0x1ba: {  	v8 =	vor.u32 $0x2, v2;
	v7 =	vld.idx.msk [tilespmem:v2+s15+$0x0], $0xffff  }
0x1bb: {  	v6 =	vadd.s32 $0x8, v2;
	v3 =	vld.idx.msk [tilespmem:v3+s15+$0x0], $0xffff  }
0x1bc: {  	v10 =	vor.u32 $0x4, v2;
	v4 =	vld.idx.msk [tilespmem:v4+s15+$0x0], $0xffff  }
0x1bd: {  	v11 =	vor.u32 $0x5, v2;
	v12 =	vld.idx.msk [tilespmem:v5+s15+$0x0], $0xffff  }
0x1be: {  	v14 =	vadd.s32 $0xA, v2;
	v9 =	vld.idx.msk [tilespmem:v9+s15+$0x0], $0xffff  }
0x1bf: {  	v15 =	vadd.s32 $0x9, v2;
	v8 =	vld.idx.msk [tilespmem:v8+s15+$0x0], $0xffff  }
0x1c0: {  	v16 =	vadd.s32 $0xC, v2;
	v6 =	vld.idx.msk [tilespmem:v6+s15+$0x0], $0xffff  }
0x1c1: {  	v5 =	vor.u32 $0x6, v2;
	v10 =	vld.idx.msk [tilespmem:v10+s15+$0x0], $0xffff  }
0x1c2: {  	v13 =	vor.u32 $0x7, v2;
	v18 =	vadd.s32 $0xE, v2;
	v11 =	vld.idx.msk [tilespmem:v11+s15+$0x0], $0xffff;
	v7 =	vshll.u32 v7, $0x5  }
0x1c3: {  	v14 =	vld.idx.msk [tilespmem:v14+s15+$0x0], $0xffff;
	v17 =	vand.u32 $0xFFFFFFF8, v4;
	v4 =	vand.u32 $0x7, v4;
	v20 =	vand.u32 $0xFFFFFFF8, v9  }
0x1c4: {  	v15 =	vld.idx.msk [tilespmem:v15+s15+$0x0], $0xffff;
	v8 =	vshll.u32 v8, $0x5;
	v7 =	vadd.s32 v7, v17;
	v17 =	vadd.s32 $0xB, v2  }
0x1c5: {  	v16 =	vld.idx.msk [tilespmem:v16+s15+$0x0], $0xffff;
	v9 =	vand.u32 $0x7, v9;
	v8 =	vadd.s32 v8, v20;
	v4 =	vor.u32 v4, v7  }
0x1c6: {  	v5 =	vld.idx.msk [tilespmem:v5+s15+$0x0], $0xffff;
	v8 =	vor.u32 v9, v8  }
0x1c7: {  	v59 =	vand.u32 $0x7, v12;
	v7 =	vld.idx.msk [tilespmem:v13+s15+$0x0], $0xffff;
	v19 =	vadd.s32 $0x400, v4  }
0x1c8: {  	v22 =	vand.u32 $0xFFFFFFF8, v3;
	v10 =	vshll.u32 v10, $0x5;
	v9 =	vld.idx.msk [tilespmem:v18+s15+$0x0], $0xffff;
	v21 =	vadd.s32 $0x800, v4  }
0x1c9: {  	v6 =	vshll.u32 v6, $0x5;
	v18 =	vand.u32 $0xFFFFFFF8, v11;
	v23 =	vadd.s32 $0x400, v8;
	v17 =	vld.idx.msk [tilespmem:v17+s15+$0x0], $0xffff  }
0x1ca: {  	v11 =	vand.u32 $0x7, v11;
	v10 =	vadd.s32 v10, v18;
	v18 =	vadd.s32 $0x800, v8;
	v4 =	vld.idx.msk [tilespmem:v4+s17+$0x0], $0xffff  }
0x1cb: {  	v3 =	vand.u32 $0x7, v3;
	v10 =	vor.u32 v11, v10;
	v5 =	vshll.u32 v5, $0x5;
	v25 =	vld.idx.msk [tilespmem:v8+s17+$0x0], $0xffff  }
0x1cc: {  	v24 =	vadd.s32 $0x400, v10;
	v11 =	vand.u32 $0xFFFFFFF8, v7;
	v7 =	vand.u32 $0x7, v7;
	v19 =	vld.idx.msk [tilespmem:v19+s17+$0x0], $0xffff  }
0x1cd: {  	v8 =	vadd.s32 $0x800, v10;
	v21 =	vld.idx.msk [tilespmem:v21+s17+$0x0], $0xffff;
	v5 =	vadd.s32 v5, v11;
	v11 =	vshll.u32 v14, $0x5  }
0x1ce: {  	v14 =	vld.idx.msk [tilespmem:v23+s17+$0x0], $0xffff;
	v7 =	vor.u32 v7, v5;
	v5 =	vand.u32 $0xFFFFFFF8, v15;
	v15 =	vand.u32 $0x7, v15  }
0x1cf: {  	v18 =	vld.idx.msk [tilespmem:v18+s17+$0x0], $0xffff;
	v60 =	vadd.s32 $0x400, v7;
	v26 =	vadd.s32 $0x800, v7;
	v5 =	vadd.s32 v6, v5  }
0x1d0: {  	v6 =	vshll.u32 v9, $0x5;
	v9 =	vld.idx.msk [tilespmem:v10+s17+$0x0], $0xffff;
	v5 =	vor.u32 v15, v5;
	v10 =	vand.u32 $0xFFFFFFF8, v17  }
0x1d1: {  	v15 =	vand.u32 $0x7, v17;
	v17 =	vld.idx.msk [tilespmem:v24+s17+$0x0], $0xffff;
	v6 =	vadd.s32 v6, v22;
	v61 =	vadd.s32 $0x400, v5  }
0x1d2: {  	v10 =	vadd.s32 v11, v10;
	v27 =	vld.idx.msk [tilespmem:v8+s17+$0x0], $0xffff;
	v11 =	vand.u32 $0xFFFFFFF8, v12;
	v12 =	vadd.s32 $0x800, v5  }
0x1d3: {  	v13 =	vimm.f32 $0.0e+00;
	v3 =	vor.u32 v3, v6;
	v10 =	vor.u32 v15, v10;
	v8 =	vld.idx.msk [tilespmem:v7+s17+$0x0], $0xffff  }
0x1d4: {  	v16 =	vshll.u32 v16, $0x5;
	v6 =	vadd.f32 v19, v13;
	v62 =	vadd.s32 $0x800, v3;
	v15 =	vld.idx.msk [tilespmem:v60+s17+$0x0], $0xffff  }
0x1d5: {  	v21 =	vadd.f32 v21, v13;
	v11 =	vadd.s32 v16, v11;
	v7 =	vadd.s32 $0x400, v10;
	v19 =	vld.idx.msk [tilespmem:v26+s17+$0x0], $0xffff  }
0x1d6: {  	v16 =	vadd.s32 $0x800, v10;
	v11 =	vor.u32 v59, v11;
	v6 =	vadd.f32 v14, v6;
	v63 =	vld.idx.msk [tilespmem:v61+s17+$0x0], $0xffff  }
0x1d7: {  	v13 =	vadd.f32 v4, v13;
	v20 =	vadd.s32 $0x400, v11;
	v12 =	vld.idx.msk [tilespmem:v12+s17+$0x0], $0xffff  }
0x1d8: {  	v14 =	vadd.f32 v17, v6;
	v17 =	vadd.s32 $0x800, v11;
	v4 =	vld.idx.msk [tilespmem:v10+s17+$0x0], $0xffff;
	v10 =	vadd.f32 v18, v21  }
0x1d9: {  	v13 =	vadd.f32 v25, v13;
	v6 =	vld.idx.msk [tilespmem:v62+s17+$0x0], $0xffff  }
0x1da: {  	v18 =	vadd.f32 v27, v10;
	v15 =	vadd.f32 v15, v14;
	v10 =	vld.idx.msk [tilespmem:v7+s17+$0x0], $0xffff  }
0x1db: {  	v2 =	vadd.s32 $0x10, v2;
	v14 =	vadd.f32 v9, v13;
	v9 =	vld.idx.msk [tilespmem:v16+s17+$0x0], $0xffff  }
0x1dc: {  	s22 =	simm.s32 $0x0;
	v7 =	vld.idx.msk [tilespmem:v20+s17+$0x0], $0xffff;
	v16 =	vadd.f32 v19, v18;
	v13 =	vadd.f32 v63, v15;
	v15 =	vadd.s32 $0x400, v3  }
.LBB2_17:
0x1dd: {  	v18 =	vor.u32 $0x1, v2;
	v19 =	vadd.s32 $0xB, v2;
	v20 =	vadd.s32 $0xF, v2;
	s22 =	sadd.s32 $0x8, s22;
	v17 =	vld.idx.msk [tilespmem:v17+s17+$0x0], $0xffff  }
0x1de: {  	v22 =	vor.u32 $0x2, v2;
	v23 =	vadd.s32 $0x8, v2;
	v24 =	vadd.s32 $0xE, v2;
	v21 =	vld.idx.msk [tilespmem:v2+s15+$0x0], $0xffff;
	p0 =	slt.u32 s22, $0x58  }
0x1df: {  	v25 =	vor.u32 $0x3, v2;
	v8 =	vadd.f32 v8, v14;
	v12 =	vadd.f32 v12, v16;
	v11 =	vld.idx.msk [tilespmem:v11+s17+$0x0], $0xffff  }
0x1e0: {  	v14 =	vor.u32 $0x4, v2;
	v16 =	vadd.s32 $0xD, v2;
	v10 =	vadd.f32 v10, v13;
	v5 =	vld.idx.msk [tilespmem:v5+s17+$0x0], $0xffff  }
0x1e1: {  	v13 =	vor.u32 $0x5, v2;
	v9 =	vadd.f32 v9, v12;
	v12 =	vld.idx.msk [tilespmem:v15+s17+$0x0], $0xffff  }
0x1e2: {  	v15 =	vor.u32 $0x6, v2;
	v7 =	vadd.f32 v7, v10;
	v20 =	vld.idx.msk [tilespmem:v20+s15+$0x0], $0xffff  }
0x1e3: {  	v10 =	vor.u32 $0x7, v2;
	v9 =	vadd.f32 v17, v9;
	v3 =	vld.idx.msk [tilespmem:v3+s17+$0x0], $0xffff  }
0x1e4: {  	v17 =	vld.idx.msk [tilespmem:v18+s15+$0x0], $0xffff  }
0x1e5: {  	v6 =	vadd.f32 v6, v9;
	v16 =	vld.idx.msk [tilespmem:v16+s15+$0x0], $0xffff  }
0x1e6: {  	v18 =	vadd.s32 $0xA, v2;
	v5 =	vadd.f32 v5, v8;
	v9 =	vld.idx.msk [tilespmem:v23+s15+$0x0], $0xffff  }
0x1e7: {  	v7 =	vadd.f32 v12, v7;
	v8 =	vld.idx.msk [tilespmem:v22+s15+$0x0], $0xffff;
	v22 =	vadd.s32 $0x9, v2  }
0x1e8: {  	v12 =	vshll.u32 v21, $0x5;
	v23 =	vadd.s32 $0xC, v2;
	v4 =	vadd.f32 v4, v5;
	v21 =	vld.idx.msk [tilespmem:v25+s15+$0x0], $0xffff  }
0x1e9: {  	v5 =	vld.idx.msk [tilespmem:v14+s15+$0x0], $0xffff  }
0x1ea: {  	v14 =	vand.u32 $0xFFFFFFF8, v17;
	v17 =	vand.u32 $0x7, v17;
	v4 =	vadd.f32 v11, v4;
	v13 =	vld.idx.msk [tilespmem:v13+s15+$0x0], $0xffff  }
0x1eb: {  	v11 =	vadd.s32 v12, v14;
	v12 =	vld.idx.msk [tilespmem:v15+s15+$0x0], $0xffff  }
0x1ec: {  	v11 =	vor.u32 v17, v11;
	v15 =	vand.u32 $0x7, v16;
	v3 =	vadd.f32 v3, v4;
	v10 =	vld.idx.msk [tilespmem:v10+s15+$0x0], $0xffff  }
0x1ed: {  	v16 =	vand.u32 $0xFFFFFFF8, v16;
	v17 =	vand.u32 $0x7, v20;
	v4 =	vadd.s32 $0x800, v11;
	v14 =	vld.idx.msk [tilespmem:v18+s15+$0x0], $0xffff  }
0x1ee: {  	v8 =	vshll.u32 v8, $0x5;
	v18 =	vadd.s32 $0x400, v11;
	v25 =	vand.u32 $0xFFFFFFF8, v21;
	v22 =	vld.idx.msk [tilespmem:v22+s15+$0x0], $0xffff  }
0x1ef: {  	v20 =	vand.u32 $0xFFFFFFF8, v20;
	v21 =	vand.u32 $0x7, v21;
	v8 =	vadd.s32 v8, v25;
	v23 =	vld.idx.msk [tilespmem:v23+s15+$0x0], $0xffff  }
0x1f0: {  	v5 =	vshll.u32 v5, $0x5;
	v8 =	vor.u32 v21, v8;
	v21 =	vand.u32 $0xFFFFFFF8, v13;
	v24 =	vld.idx.msk [tilespmem:v24+s15+$0x0], $0xffff  }
0x1f1: {  	v9 =	vshll.u32 v9, $0x5;
	v25 =	vadd.s32 $0x400, v8;
	v5 =	vadd.s32 v5, v21;
	v11 =	vld.idx.msk [tilespmem:v11+s17+$0x0], $0xffff  }
0x1f2: {  	v13 =	vand.u32 $0x7, v13;
	v21 =	vadd.s32 $0x800, v8;
	v26 =	vand.u32 $0x7, v10;
	v19 =	vld.idx.msk [tilespmem:v19+s15+$0x0], $0xffff  }
0x1f3: {  	v12 =	vshll.u32 v12, $0x5;
	v5 =	vor.u32 v13, v5;
	v10 =	vand.u32 $0xFFFFFFF8, v10;
	v18 =	vld.idx.msk [tilespmem:v18+s17+$0x0], $0xffff  }
0x1f4: {  	v13 =	vadd.s32 $0x400, v5;
	v10 =	vadd.s32 v12, v10;
	v12 =	vand.u32 $0xFFFFFFF8, v22;
	v4 =	vld.idx.msk [tilespmem:v4+s17+$0x0], $0xffff  }
0x1f5: {  	v27 =	vadd.s32 $0x800, v5;
	v14 =	vshll.u32 v14, $0x5;
	v10 =	vor.u32 v26, v10;
	v8 =	vld.idx.msk [tilespmem:v8+s17+$0x0], $0xffff  }
0x1f6: {  	v22 =	vand.u32 $0x7, v22;
	v26 =	vadd.s32 $0x400, v10;
	v24 =	vshll.u32 v24, $0x5;
	v25 =	vld.idx.msk [tilespmem:v25+s17+$0x0], $0xffff  }
0x1f7: {  	v9 =	vadd.s32 v9, v12;
	v3 =	vadd.f32 v11, v3;
	v11 =	vld.idx.msk [tilespmem:v21+s17+$0x0], $0xffff;
	v21 =	vadd.s32 $0x800, v10  }
0x1f8: {  	v12 =	vld.idx.msk [tilespmem:v5+s17+$0x0], $0xffff;
	v5 =	vor.u32 v22, v9;
	v9 =	vand.u32 $0xFFFFFFF8, v19;
	v19 =	vand.u32 $0x7, v19  }
0x1f9: {  	v7 =	vadd.f32 v18, v7;
	v13 =	vld.idx.msk [tilespmem:v13+s17+$0x0], $0xffff;
	v18 =	vadd.s32 $0x400, v5;
	v9 =	vadd.s32 v14, v9  }
0x1fa: {  	v4 =	vadd.f32 v4, v6;
	v14 =	vadd.s32 v24, v20;
	v6 =	vld.idx.msk [tilespmem:v27+s17+$0x0], $0xffff;
	v9 =	vor.u32 v19, v9  }
0x1fb: {  	v22 =	vadd.s32 $0x800, v5;
	v19 =	vadd.f32 v8, v3;
	v3 =	vor.u32 v17, v14;
	v20 =	vld.idx.msk [tilespmem:v26+s17+$0x0], $0xffff  }
0x1fc: {  	v14 =	vshll.u32 v23, $0x5;
	v7 =	vadd.f32 v25, v7;
	v23 =	vadd.s32 $0x800, v3;
	v21 =	vld.idx.msk [tilespmem:v21+s17+$0x0], $0xffff  }
0x1fd: {  	v17 =	vadd.f32 v11, v4;
	v4 =	vadd.s32 v14, v16;
	v8 =	vld.idx.msk [tilespmem:v10+s17+$0x0], $0xffff;
	v10 =	vadd.s32 $0x400, v9  }
0x1fe: {  	v14 =	vadd.f32 v12, v19;
	v19 =	vadd.s32 $0x800, v9;
	v11 =	vor.u32 v15, v4;
	v18 =	vld.idx.msk [tilespmem:v18+s17+$0x0], $0xffff  }
0x1ff: {  	v7 =	vadd.f32 v13, v7;
	v15 =	vadd.s32 $0x400, v11;
	v4 =	vld.idx.msk [tilespmem:v9+s17+$0x0], $0xffff  }
.Ltmp7:
0x200: {  	v9 =	vadd.f32 v6, v17;
	v17 =	vadd.s32 $0x800, v11;
	v12 =	vld.idx.msk [tilespmem:v22+s17+$0x0], $0xffff;
	(pc) =	sbr.rel @p0 .LBB2_17-.Ltmp7, $4  }
0x201: {  	v2 =	vadd.s32 $0x10, v2;
	v7 =	vadd.f32 v20, v7;
	v6 =	vld.idx.msk [tilespmem:v23+s17+$0x0], $0xffff  }
0x202: {  	v16 =	vadd.f32 v21, v9;
	v10 =	vld.idx.msk [tilespmem:v10+s17+$0x0], $0xffff  }
0x203: {  	v9 =	vld.idx.msk [tilespmem:v19+s17+$0x0], $0xffff  }
0x204: {  	v13 =	vadd.f32 v18, v7;
	v7 =	vld.idx.msk [tilespmem:v15+s17+$0x0], $0xffff;
	v15 =	vadd.s32 $0x400, v3  }
0x205: {  	v18 =	vor.u32 $0x1, v2  }
0x206: {  	v19 =	vor.u32 $0x2, v2  }
0x207: {  	v20 =	vor.u32 $0x3, v2;
	_ =	sdelay $0x1  }
0x208: {  	v21 =	vld.idx.msk [tilespmem:v2+s15+$0x0], $0xffff  }
0x209: {  	v22 =	vor.u32 $0x4, v2;
	v18 =	vld.idx.msk [tilespmem:v18+s15+$0x0], $0xffff  }
0x20a: {  	v23 =	vor.u32 $0x5, v2;
	v19 =	vld.idx.msk [tilespmem:v19+s15+$0x0], $0xffff  }
0x20b: {  	v24 =	vor.u32 $0x6, v2;
	v2 =	vor.u32 $0x7, v2;
	v20 =	vld.idx.msk [tilespmem:v20+s15+$0x0], $0xffff;
	_ =	sdelay $0x1  }
0x20c: {  	v5 =	vld.idx.msk [tilespmem:v5+s17+$0x0], $0xffff  }
0x20d: {  	v8 =	vadd.f32 v8, v14;
	v22 =	vld.idx.msk [tilespmem:v22+s15+$0x0], $0xffff  }
0x20e: {  	v21 =	vshll.u32 v21, $0x5;
	v23 =	vld.idx.msk [tilespmem:v23+s15+$0x0], $0xffff;
	v25 =	vand.u32 $0xFFFFFFF8, v18;
	v18 =	vand.u32 $0x7, v18  }
0x20f: {  	v2 =	vld.idx.msk [tilespmem:v2+s15+$0x0], $0xffff;
	v38 =	vand.u32 $0xFFFFFFF8, v20;
	v19 =	vshll.u32 v19, $0x5;
	v21 =	vadd.s32 v21, v25  }
0x210: {  	v24 =	vld.idx.msk [tilespmem:v24+s15+$0x0], $0xffff;
	v20 =	vand.u32 $0x7, v20;
	v19 =	vadd.s32 v19, v38;
	v37 =	vor.u32 v18, v21  }
0x211: {  	v17 =	vld.idx.msk [tilespmem:v17+s17+$0x0], $0xffff;
	v40 =	vor.u32 v20, v19  }
0x212: {  	v11 =	vld.idx.msk [tilespmem:v11+s17+$0x0], $0xffff;
	v5 =	vadd.f32 v5, v8;
	v18 =	vadd.s32 $0x400, v37  }
0x213: {  	v15 =	vld.idx.msk [tilespmem:v15+s17+$0x0], $0xffff;
	v42 =	vand.u32 $0xFFFFFFF8, v23;
	v43 =	vshll.u32 v22, $0x5;
	v39 =	vadd.s32 $0x800, v37  }
0x214: {  	v3 =	vld.idx.msk [tilespmem:v3+s17+$0x0], $0xffff;
	v45 =	vand.u32 $0x7, v23;
	v49 =	vand.u32 $0xFFFFFFF8, v2;
	v41 =	vadd.s32 $0x400, v40  }
0x215: {  	v50 =	vshll.u32 v24, $0x5;
	v19 =	vadd.s32 v43, v42;
	v44 =	vadd.s32 $0x800, v40;
	v14 =	vld.idx.msk [tilespmem:v37+s17+$0x0], $0xffff  }
0x216: {  	v2 =	vand.u32 $0x7, v2;
	v21 =	vadd.s32 v50, v49;
	v47 =	vor.u32 v45, v19;
	v8 =	vld.idx.msk [tilespmem:v40+s17+$0x0], $0xffff  }
0x217: {  	v12 =	vadd.f32 v12, v16;
	v4 =	vadd.f32 v4, v5;
	v2 =	vor.u32 v2, v21;
	v46 =	vld.idx.msk [tilespmem:v18+s17+$0x0], $0xffff  }
0x218: {  	v10 =	vadd.f32 v10, v13;
	v19 =	vadd.s32 $0x400, v47;
	v48 =	vld.idx.msk [tilespmem:v39+s17+$0x0], $0xffff  }
0x219: {  	v9 =	vadd.f32 v9, v12;
	v4 =	vadd.f32 v11, v4;
	v51 =	vadd.s32 $0x800, v47;
	v52 =	vld.idx.msk [tilespmem:v41+s17+$0x0], $0xffff  }
0x21a: {  	v7 =	vadd.f32 v7, v10;
	v54 =	vadd.s32 $0x400, v2;
	v53 =	vld.idx.msk [tilespmem:v44+s17+$0x0], $0xffff  }
0x21b: {  	v9 =	vadd.f32 v17, v9;
	v3 =	vadd.f32 v3, v4;
	v56 =	vadd.s32 $0x800, v2;
	v55 =	vld.idx.msk [tilespmem:v47+s17+$0x0], $0xffff  }
0x21c: {  	v7 =	vadd.f32 v15, v7;
	v2 =	vld.idx.msk [tilespmem:v2+s17+$0x0], $0xffff  }
0x21d: {  	v6 =	vadd.f32 v6, v9;
	v57 =	vld.idx.msk [tilespmem:v19+s17+$0x0], $0xffff;
	v3 =	vadd.f32 v14, v3  }
0x21e: {  	v58 =	vld.idx.msk [tilespmem:v51+s17+$0x0], $0xffff;
	v5 =	vadd.f32 v46, v7  }
0x21f: {  	v59 =	vld.idx.msk [tilespmem:v54+s17+$0x0], $0xffff;
	v6 =	vadd.f32 v48, v6;
	v3 =	vadd.f32 v8, v3  }
0x220: {  	v1 =	vshll.u32 v1, $0x3;
	v60 =	vld.idx.msk [tilespmem:v56+s17+$0x0], $0xffff;
	v5 =	vadd.f32 v52, v5  }
0x221: {  	s21 =	sadd.s32 $0x1, s21;
	v61 =	vor.u32 $0x1, v1;
	v6 =	vadd.f32 v53, v6;
	v3 =	vadd.f32 v55, v3  }
0x222: {  	v62 =	vor.u32 $0x2, v1;
	p0 =	sne.s32 s21, $0x8;
	v5 =	vadd.f32 v57, v5  }
.Ltmp8:
0x223: {  	v6 =	vadd.f32 v58, v6;
	v2 =	vadd.f32 v2, v3;
	(pc) =	sbr.rel @p0 .LBB2_16-.Ltmp8, $4  }
0x224: {  	v3 =	vadd.f32 v59, v5  }
0x225: {  	v63 =	vadd.f32 v60, v6;
	[tilespmem:v1+s18+$0x0] =	vst.idx.msk $0xffff, v2  }
0x226: {  	[tilespmem:v61+s18+$0x0] =	vst.idx.msk $0xffff, v3  }
0x227: {  	[tilespmem:v62+s18+$0x0] =	vst.idx.msk $0xffff, v63  }
0x228: {  	s20 =	sadd.s32 $0x1, s20  }
0x229: {  	p0 =	sne.s32 s20, s12  }
.Ltmp9:
0x22a: {  	_ = 	snop;
	(pc) =	sbr.rel @p0 .LBB2_1-.Ltmp9, $4  }
0x22b: {  	[hbm4b:s11+s3] =	stream.linear.scatter [tilespmem:s18], [sflag:$0x3], $0x400, $0x38;
	[tilespmem:$0xDC00] =	vst v63  }
0x22c: {  	_ =	swait.ge [sflag:s14], $0x400  }
0x22d: {  	[sflag:s14] =	ssyncset.done $0x0  }
0x22e: {  	[sflag:s14] =	ssyncadd.s32 $0xFFFFFC00  }
0x22f: {  	_ =	sfence.sel $0x180000  }
0x230: {  	[bflag:$0x0] =	sbarrier.arrive $0xFFFF  }
0x231: {  	p0 =	sne.s32 s1, $0x0;
	_ =	strace $0x90000047  }
0x232: {  	s0 =	sadd.s32 @!p0 $0x100000, s0;
	[bflag:$0x2] =	sbarrier.arrive $0xFFFF  }
0x233: {  	[sflag:s0] =	ssyncadd.tile.s32 @!p0 $0x1;
	_ =	shalt  }
.Lfunc_end2:
_tile_overlayer_lowered:
.L_overlay_start_2:
0x234: {  	(tag) =	ssettag $0x2  }
0x235: {  	s0 =	rddreg [dreg:$0x0];
	s2 =	stileid.u32  }
0x236: {  	s1 =	rddreg [dreg:$0x1];
	p0 =	sne.s32 s2, $0x0  }
0x237: {  	s3 =	rddreg [dreg:$0x2];
	[bflag:$0x3] =	sbarrier.arrive $0xFFFF;
	s2 =	simm.s32 @!p0 $0x1C03  }
0x238: {  	[timem:s3], [sflag:s2] =	dma.local @!p0 [hbm:s0], s1  }
0x239: {  	s0 =	simm.s32 @!p0 $0x3  }
0x23a: {  	_ =	swait.ge @!p0 [sflag:s0], s1  }
0x23b: {  	s1 =	ssub.s32 @!p0 $0x0, s1;
	[sflag:s0] =	ssyncset.done @!p0 $0x0  }
0x23c: {  	[sflag:s0] =	ssyncadd.s32 @!p0 s1  }
0x23d: {  	[bflag:$0x3] =	sbarrier.arrive $0xFFFF  }
0x23e: {  	_ =	shalt  }

</sc_bundles>
